<compile_context>
chip_gen: v7x
topology: tpu7x:2x2x1
jax: 0.10.2.dev20260603
libtpu: 0.0.44.dev20260713+nightly
codegen_flags: <defaults>
</compile_context>

<pallas_src>
import functools

import jax
import jax.numpy as jnp
from jax import lax
from jax.experimental import pallas as pl
from jax.experimental.pallas import tpu as pltpu
from jax.experimental.pallas import tpu_sc as plsc

N = 10000
E = 320000
D = 128
DH = D // 2
NC = 2
NS = 16
NW = NC * NS
CH = 128
CPT = 80
CPT1 = NC * CPT
G = 1
NG = CPT1 // G
EP = NW * CPT * CH
NP = 10240
RPT = NP // NS
CW = 8


def _sc_mesh():
    return plsc.VectorSubcoreMesh(core_axis_name="c", subcore_axis_name="s")


@functools.partial(
    pl.kernel,
    out_type=(
        jax.ShapeDtypeStruct((NC, NP, DH), jnp.float32),
        jax.ShapeDtypeStruct((NC, NP, CW), jnp.float32),
        jax.ShapeDtypeStruct((NP,), jnp.float32),
    ),
    mesh=_sc_mesh(),
    scratch_types=(
        pltpu.VMEM((CPT1, CH), jnp.int32),
        pltpu.VMEM((CPT1, CH), jnp.int32),
        pltpu.VMEM((G * CH, DH), jnp.float32),
        pltpu.VMEM((G * CH, DH), jnp.float32),
        pltpu.VMEM((G * CH, DH), jnp.float32),
        pltpu.VMEM((G * CH, DH), jnp.float32),
        pltpu.VMEM((G * CH, CW), jnp.float32),
        pltpu.VMEM((RPT, CW), jnp.float32),
        pltpu.VMEM((RPT,), jnp.float32),
        pltpu.VMEM_SHARED((NP, DH), jnp.float32),
        pltpu.VMEM_SHARED((NP, CW), jnp.float32),
        pltpu.SemaphoreType.DMA,
        pltpu.SemaphoreType.DMA,
        pltpu.SemaphoreType.DMA,
        pltpu.SemaphoreType.DMA,
    ),
    compiler_params=pltpu.CompilerParams(use_tc_tiling_on_sc=False,
                                         needs_layout_passes=False),
)
def _sc1(xl_hbm, xr_hbm, src_hbm, dst_hbm, zero_hbm, zcw_hbm, ones_hbm,
         agg_out, cnt_out, invc_out,
         src_v, dst_v, rows0_v, rows1_v, rows2_v, rows3_v, ones_v,
         cntl_v, invcl_v, agg_acc, cnt_acc, sem0, sem1, sem2, sem3):
    cid = lax.axis_index("c")
    sid = lax.axis_index("s")
    r0 = sid * RPT

    pltpu.sync_copy(src_hbm.at[sid], src_v)
    pltpu.sync_copy(dst_hbm.at[sid], dst_v)
    pltpu.sync_copy(ones_hbm, ones_v)

    pltpu.sync_copy(zero_hbm, agg_acc.at[pl.ds(r0, RPT), :])
    pltpu.sync_copy(zcw_hbm, cnt_acc.at[pl.ds(r0, RPT), :])
    plsc.subcore_barrier()

    def _run(xh, do_cnt):
        bufs = (rows0_v, rows1_v, rows2_v, rows3_v)
        sems = (sem0, sem1, sem2, sem3)

        def g_start(g, b):
            pltpu.async_copy(xh.at[src_v.at[jnp.minimum(g, CPT1 - 1)]],
                             bufs[b], sems[b])

        def g_wait(b):
            pltpu.make_async_copy(xh.at[src_v.at[0]], bufs[b],
                                  sems[b]).wait()

        def g_scatter(g, b):
            idx = dst_v.at[g]
            pltpu.sync_copy(bufs[b], agg_acc.at[idx], add=True)
            if do_cnt:
                pltpu.sync_copy(ones_v, cnt_acc.at[idx], add=True)

        for b in range(3):
            g_start(b, b)

        def body(i, carry):
            g = 4 * i
            for k in range(4):
                g_wait(k)
                g_start(g + k + 3, (k + 3) % 4)
                g_scatter(g + k, k)
            return carry

        lax.fori_loop(0, CPT1 // 4, body, 0)
        for b in range(3):
            g_wait(b)

    @pl.when(cid == 0)
    def _():
        _run(xl_hbm, True)

    @pl.when(cid == 1)
    def _():
        _run(xr_hbm, False)

    plsc.subcore_barrier()

    pltpu.sync_copy(agg_acc.at[pl.ds(r0, RPT), :],
                    agg_out.at[cid, pl.ds(r0, RPT), :])
    pltpu.sync_copy(cnt_acc.at[pl.ds(r0, RPT), :],
                    cnt_out.at[cid, pl.ds(r0, RPT), :])

    @pl.when(cid == 0)
    def _():
        pltpu.sync_copy(cnt_acc.at[pl.ds(r0, RPT), :], cntl_v)
        lane16 = lax.broadcasted_iota(jnp.int32, (16,), 0)
        zero16 = jnp.zeros((16,), jnp.int32)

        def inv_body(k, carry):
            ridx = k * 16 + lane16
            v = plsc.load_gather(cntl_v, [ridx, zero16])
            w = 1.0 / jnp.maximum(v, 1.0)
            w = jnp.where(r0 + ridx < N, w, 0.0)
            invcl_v[pl.ds(k * 16, 16)] = w
            return carry

        lax.fori_loop(0, RPT // 16, inv_body, 0)
        pltpu.sync_copy(invcl_v, invc_out.at[pl.ds(r0, RPT)])


B2 = 2048
G2 = NP // B2


def _tcf_body(agg_ref, cnt_ref, x_ref, a_ref,
              wl1_ref, wr1_ref, bl1_ref,
              wl2_ref, wr2_ref, fw_ref, bl2_ref, fb_ref,
              out_ref, acc):
    i = pl.program_id(0)

    @pl.when(i == 0)
    def _():
        acc[...] = jnp.zeros_like(acc)

    agg = jnp.concatenate([agg_ref[0], agg_ref[1]], axis=1)
    cnt = cnt_ref[0, :, 0:1]
    invc = 1.0 / jnp.maximum(cnt, 1.0)
    row = i * B2 + lax.broadcasted_iota(jnp.int32, (B2, 1), 0)
    valid = row < N
    invc = jnp.where(valid, invc, 0.0)
    mean1 = agg * invc
    h = (jnp.dot(mean1, wl1_ref[...], preferred_element_type=jnp.float32)
         + jnp.dot(x_ref[...], wr1_ref[...], preferred_element_type=jnp.float32)
         + bl1_ref[...])
    x1 = jnp.where(valid, jnp.maximum(h, 0.0), 0.0)

    a = (a_ref[0, :, 0:1] + a_ref[1, :, 0:1]) * (1.0 / N)
    ab = jnp.concatenate([a, jnp.full((B2, 1), 1.0 / N, jnp.float32)], axis=1)
    part = lax.dot_general(ab, x1, (((0,), (0,)), ((), ())),
                           preferred_element_type=jnp.float32)
    acc[0:2, :] += part

    @pl.when(i == G2 - 1)
    def _():
        s = acc[0:1, :]
        m1 = acc[1:2, :]
        hh = jnp.maximum(
            jnp.dot(s, wl2_ref[...], preferred_element_type=jnp.float32)
            + jnp.dot(m1, wr2_ref[...], preferred_element_type=jnp.float32)
            + bl2_ref[...], 0.0)
        out_ref[...] = (jnp.dot(hh, fw_ref[...],
                                preferred_element_type=jnp.float32)
                        + fb_ref[...])


def _tcf(agg_part, cnt_part, x, a_part, wl1t, wr1t, bl1,
         wl2t, wr2t, fcwt, bl2, fcb):
    full = pl.BlockSpec((D, D), lambda i: (0, 0))
    vec = pl.BlockSpec((1, D), lambda i: (0, 0))
    return pl.pallas_call(
        _tcf_body,
        grid=(G2,),
        in_specs=[
            pl.BlockSpec((NC, B2, DH), lambda i: (0, i, 0)),
            pl.BlockSpec((NC, B2, CW), lambda i: (0, i, 0)),
            pl.BlockSpec((B2, D), lambda i: (i, 0)),
            pl.BlockSpec((NC, B2, CW), lambda i: (0, i, 0)),
            full, full, vec, full, full, full, vec, vec,
        ],
        out_specs=pl.BlockSpec((1, D), lambda i: (0, 0)),
        out_shape=jax.ShapeDtypeStruct((1, D), jnp.float32),
        scratch_shapes=[pltpu.VMEM((8, D), jnp.float32)],
    )(agg_part, cnt_part, x, a_part, wl1t, wr1t, bl1,
      wl2t, wr2t, fcwt, bl2, fcb)


@functools.partial(
    pl.kernel,
    out_type=jax.ShapeDtypeStruct((NC, NP, CW), jnp.float32),
    mesh=_sc_mesh(),
    scratch_types=(
        pltpu.VMEM((NP,), jnp.float32),
        pltpu.VMEM((CPT, CH), jnp.int32),
        pltpu.VMEM((CPT, CH), jnp.int32),
        pltpu.VMEM((CH, CW), jnp.float32),
        pltpu.VMEM((CH, CW), jnp.float32),
        pltpu.VMEM_SHARED((NP, CW), jnp.float32),
        pltpu.SemaphoreType.DMA,
        pltpu.SemaphoreType.DMA,
    ),
    compiler_params=pltpu.CompilerParams(use_tc_tiling_on_sc=False,
                                         needs_layout_passes=False),
)
def _sc3(invc_hbm, src_hbm, dst_hbm, zcw_hbm, zch_hbm,
         a_out,
         invc_v, src_v, dst_v, wrows0_v, wrows1_v, a_acc, sema, semb):
    cid = lax.axis_index("c")
    sid = lax.axis_index("s")
    wid = sid * NC + cid
    r0 = sid * RPT

    pltpu.sync_copy(invc_hbm, invc_v)
    pltpu.sync_copy(src_hbm.at[wid], src_v)
    pltpu.sync_copy(dst_hbm.at[wid], dst_v)
    pltpu.sync_copy(zch_hbm, wrows0_v)
    pltpu.sync_copy(zch_hbm, wrows1_v)
    pltpu.sync_copy(zcw_hbm, a_acc.at[pl.ds(r0, RPT), :])
    plsc.subcore_barrier()

    lane = lax.broadcasted_iota(jnp.int32, (16,), 0)
    col0 = jnp.zeros((16,), jnp.int32)
    bufs = (wrows0_v, wrows1_v)
    sems = (sema, semb)

    def fill(j, buf):
        for t in range(CH // 16):
            idx_d = dst_v[j, pl.ds(t * 16, 16)]
            w = plsc.load_gather(invc_v, [idx_d])
            plsc.store_scatter(buf, [t * 16 + lane, col0], w)

    def s_start(j, b):
        pltpu.async_copy(bufs[b], a_acc.at[src_v.at[j]], sems[b], add=True)

    def s_wait(b):
        pltpu.make_async_copy(bufs[b], a_acc.at[src_v.at[0]],
                              sems[b]).wait()

    s_start(0, 1)

    def chunk(i, carry):
        j0 = 2 * i
        j1 = 2 * i + 1
        fill(j0, wrows0_v)
        s_wait(1)
        s_start(j0, 0)
        fill(j1, wrows1_v)
        s_wait(0)
        s_start(j1, 1)
        return carry

    lax.fori_loop(0, CPT // 2, chunk, 0)
    s_wait(1)
    plsc.subcore_barrier()
    pltpu.sync_copy(a_acc.at[pl.ds(r0, RPT), :],
                    a_out.at[cid, pl.ds(r0, RPT), :])


def kernel(node_features, Wl1, bl1, Wr1, Wl2, bl2, Wr2, fc_w, fc_b, edge_index):
    x = node_features.astype(jnp.float32)
    src = edge_index[0].astype(jnp.int32)
    dst = edge_index[1].astype(jnp.int32)

    pad = EP - E
    pr = jnp.arange(pad, dtype=jnp.int32)
    srcp = jnp.concatenate([src, pr % N])
    dstp = jnp.concatenate([dst, N + (pr % (NP - N))])
    srcr1 = srcp.reshape(NS, CPT1, CH)
    dstr1 = dstp.reshape(NS, CPT1, CH)
    srcr3 = srcp.reshape(NW, CPT, CH)
    dstr3 = dstp.reshape(NW, CPT, CH)

    xl = x[:, :DH]
    xr = x[:, DH:]
    zero_big = jnp.zeros((RPT, DH), jnp.float32)
    zero_cw = jnp.zeros((RPT, CW), jnp.float32)
    zero_ch = jnp.zeros((CH, CW), jnp.float32)
    ones_rows = jnp.zeros((G * CH, CW), jnp.float32).at[:, 0].set(1.0)

    agg_part, cnt_part, invc = _sc1(xl, xr, srcr1, dstr1,
                                    zero_big, zero_cw, ones_rows)

    a_part = _sc3(invc, srcr3, dstr3, zero_cw, zero_ch)

    out = _tcf(agg_part, cnt_part, x, a_part,
               Wl1.T, Wr1.T, bl1.reshape(1, D),
               Wl2.T, Wr2.T, fc_w.T, bl2.reshape(1, D), fc_b.reshape(1, D))
    return out.reshape(D)

# --- scband reference (transcript-rebuilt; emitter-appended) ---
"""Pipeline reference for scband-gnn-model-63926293233940 (READ-ONLY COPY).

The authoritative reference and input builder live on the scoring server;
editing this copy changes nothing except your own understanding.
"""

import jax, jax.numpy as jnp
import numpy as np

N_NODES = 10000
N_EDGES = 320000
D_IN = 128
D_HID = 128
D_OUT = 128


def _glorot(key, shape):
    fan_in, fan_out = shape[1], shape[0]
    limit = np.sqrt(6.0 / (fan_in + fan_out))
    return jax.random.uniform(key, shape, dtype=jnp.float32, minval=-limit, maxval=limit)


def setup_inputs(seed: int = 0) -> dict:
    key = jax.random.key(seed)
    ks = jax.random.split(key, 12)
    node_features = jax.random.normal(ks[0], (N_NODES, D_IN), dtype=jnp.float32)
    edge_index = jax.random.randint(ks[1], (2, N_EDGES), 0, N_NODES, dtype=jnp.int64)
    # SAGEConv params (PyG style): lin_l (neighbor agg, with bias) + lin_r (root, no bias)
    Wl1 = _glorot(ks[2], (D_HID, D_IN))
    bl1 = jnp.zeros((D_HID,), dtype=jnp.float32)
    Wr1 = _glorot(ks[3], (D_HID, D_IN))
    Wl2 = _glorot(ks[4], (D_HID, D_HID))
    bl2 = jnp.zeros((D_HID,), dtype=jnp.float32)
    Wr2 = _glorot(ks[5], (D_HID, D_HID))
    fc_w = _glorot(ks[6], (D_OUT, D_HID))
    fc_b = jnp.zeros((D_OUT,), dtype=jnp.float32)
    return {
        "node_features": node_features,
        "Wl1": Wl1, "bl1": bl1, "Wr1": Wr1,
        "Wl2": Wl2, "bl2": bl2, "Wr2": Wr2,
        "fc_w": fc_w, "fc_b": fc_b,
        "edge_index": edge_index,
    }


def _sage_conv(x, edge_index, Wl, bl, Wr):
    n = x.shape[0]
    src = edge_index[0]
    dst = edge_index[1]
    msgs = jnp.take(x, src, axis=0)                       # gather  [E, d]
    agg = jax.ops.segment_sum(msgs, dst, num_segments=n)  # scatter-add [N, d]
    cnt = jax.ops.segment_sum(jnp.ones((edge_index.shape[1],), dtype=x.dtype), dst, num_segments=n)
    mean = agg / jnp.clip(cnt, 1.0, None)[:, None]        # mean aggregation
    return mean @ Wl.T + bl + x @ Wr.T


def reference(node_features, Wl1, bl1, Wr1, Wl2, bl2, Wr2, fc_w, fc_b, edge_index):
    x = _sage_conv(node_features, edge_index, Wl1, bl1, Wr1)
    x = jax.nn.relu(x)
    # dropout is identity in eval mode
    x = _sage_conv(x, edge_index, Wl2, bl2, Wr2)
    x = x.mean(axis=0)
    x = jax.nn.relu(x)
    x = fc_w @ x + fc_b
    return x

if __name__ == "__main__":
    import jax
    _d = setup_inputs()
    print(jax.jit(kernel)(*tuple(_d.values())))

</pallas_src>

<mosaic_0001>
#map = affine_map<(d0, d1) -> (0)>
#map1 = affine_map<(d0, d1) -> (0, 0, 0)>
#map2 = affine_map<(d0, d1) -> (0, 0)>
module attributes {stable_mosaic.version = 14 : i64} {
  func.func @_sc3(%arg0: i32, %arg1: i32, %arg2: memref<10240xf32, #tpu.memory_space<hbm>>, %arg3: memref<32x80x128xi32, #tpu.memory_space<hbm>>, %arg4: memref<32x80x128xi32, #tpu.memory_space<hbm>>, %arg5: memref<640x8xf32, #tpu.memory_space<hbm>>, %arg6: memref<128x8xf32, #tpu.memory_space<hbm>>, %arg7: memref<2x10240x8xf32, #tpu.memory_space<hbm>>, %arg8: memref<10240xf32, #tpu.memory_space<vmem>>, %arg9: memref<80x128xi32, #tpu.memory_space<vmem>>, %arg10: memref<80x128xi32, #tpu.memory_space<vmem>>, %arg11: memref<128x8xf32, #tpu.memory_space<vmem>>, %arg12: memref<128x8xf32, #tpu.memory_space<vmem>>, %arg13: memref<10240x8xf32, #tpu.memory_space<vmem_shared>>, %arg14: memref<!tpu.dma_semaphore, #tpu.memory_space<semaphore_mem>>, %arg15: memref<!tpu.dma_semaphore, #tpu.memory_space<semaphore_mem>>) attributes {dimension_semantics = [#tpu.dimension_semantics<core_parallel>, #tpu.dimension_semantics<subcore_parallel>], iteration_bounds = array<i64: 2, 16>, scalar_prefetch = 0 : i64, scratch_operands = 8 : i64, tpu.core_type = #tpu.core_type<sc_vector_subcore>, window_params = [{transform_indices = #map}, {transform_indices = #map1}, {transform_indices = #map1}, {transform_indices = #map2}, {transform_indices = #map2}, {transform_indices = #map1}]} {
    %mul3A = arith.constant 2 : i32
    %mul3A_0 = arith.muli %arg1, %mul3A : i32
    %add3A = arith.addi %mul3A_0, %arg0 : i32
    %mul3A_1 = arith.constant 640 : i32
    %mul3A_2 = arith.muli %arg1, %mul3A_1 : i32
    "tpu.region"() ({
      %run_scoped3A = tpu.sem_alloc : memref<!tpu.dma_semaphore, #tpu.memory_space<semaphore_mem>>
      tpu.enqueue_dma source(%arg2 : memref<10240xf32, #tpu.memory_space<hbm>>) target(%arg8 : memref<10240xf32, #tpu.memory_space<vmem>>) target_semaphore(%run_scoped3A : memref<!tpu.dma_semaphore, #tpu.memory_space<semaphore_mem>>)
      tpu.wait_dma2 semaphore(%run_scoped3A : memref<!tpu.dma_semaphore, #tpu.memory_space<semaphore_mem>>) src(%arg2 : memref<10240xf32, #tpu.memory_space<hbm>>) dst(%arg8 : memref<10240xf32, #tpu.memory_space<vmem>>)
      tpu.yield
    }) : () -> ()
    "tpu.region"() ({
      %run_scoped3A = tpu.sem_alloc : memref<!tpu.dma_semaphore, #tpu.memory_space<semaphore_mem>>
      %dma_start3A_22 = arith.constant 0 : i32
      %dma_start3A_23 = arith.constant 0 : i32
      %dma_start3A_24 = tpu.memref_slice %arg3[%add3A, %dma_start3A_22, %dma_start3A_23] : memref<32x80x128xi32, #tpu.memory_space<hbm>> -> memref<1x80x128xi32, #tpu.memory_space<hbm>>
      %dma_start3A_25 = tpu.memref_squeeze %dma_start3A_24 : memref<1x80x128xi32, #tpu.memory_space<hbm>> -> memref<80x128xi32, #tpu.memory_space<hbm>>
      %dma_start3A_26 = arith.constant 0 : i32
      %dma_start3A_27 = arith.constant 0 : i32
      %dma_start3A_28 = tpu.memref_slice %arg3[%add3A, %dma_start3A_26, %dma_start3A_27] : memref<32x80x128xi32, #tpu.memory_space<hbm>> -> memref<1x80x128xi32, #tpu.memory_space<hbm>>
      %dma_start3A_29 = tpu.memref_squeeze %dma_start3A_28 : memref<1x80x128xi32, #tpu.memory_space<hbm>> -> memref<80x128xi32, #tpu.memory_space<hbm>>
      tpu.enqueue_dma source(%dma_start3A_29 : memref<80x128xi32, #tpu.memory_space<hbm>>) target(%arg9 : memref<80x128xi32, #tpu.memory_space<vmem>>) target_semaphore(%run_scoped3A : memref<!tpu.dma_semaphore, #tpu.memory_space<semaphore_mem>>)
      %dma_wait3A_30 = arith.constant 0 : i32
      %dma_wait3A_31 = arith.constant 0 : i32
      %dma_wait3A_32 = tpu.memref_slice %arg3[%add3A, %dma_wait3A_30, %dma_wait3A_31] : memref<32x80x128xi32, #tpu.memory_space<hbm>> -> memref<1x80x128xi32, #tpu.memory_space<hbm>>
      %dma_wait3A_33 = tpu.memref_squeeze %dma_wait3A_32 : memref<1x80x128xi32, #tpu.memory_space<hbm>> -> memref<80x128xi32, #tpu.memory_space<hbm>>
      %dma_wait3A_34 = arith.constant 0 : i32
      %dma_wait3A_35 = arith.constant 0 : i32
      %dma_wait3A_36 = tpu.memref_slice %arg3[%add3A, %dma_wait3A_34, %dma_wait3A_35] : memref<32x80x128xi32, #tpu.memory_space<hbm>> -> memref<1x80x128xi32, #tpu.memory_space<hbm>>
      %dma_wait3A_37 = tpu.memref_squeeze %dma_wait3A_36 : memref<1x80x128xi32, #tpu.memory_space<hbm>> -> memref<80x128xi32, #tpu.memory_space<hbm>>
      tpu.wait_dma2 semaphore(%run_scoped3A : memref<!tpu.dma_semaphore, #tpu.memory_space<semaphore_mem>>) src(%dma_wait3A_37 : memref<80x128xi32, #tpu.memory_space<hbm>>) dst(%arg9 : memref<80x128xi32, #tpu.memory_space<vmem>>)
      tpu.yield
    }) : () -> ()
    "tpu.region"() ({
      %run_scoped3A = tpu.sem_alloc : memref<!tpu.dma_semaphore, #tpu.memory_space<semaphore_mem>>
      %dma_start3A_22 = arith.constant 0 : i32
      %dma_start3A_23 = arith.constant 0 : i32
      %dma_start3A_24 = tpu.memref_slice %arg4[%add3A, %dma_start3A_22, %dma_start3A_23] : memref<32x80x128xi32, #tpu.memory_space<hbm>> -> memref<1x80x128xi32, #tpu.memory_space<hbm>>
      %dma_start3A_25 = tpu.memref_squeeze %dma_start3A_24 : memref<1x80x128xi32, #tpu.memory_space<hbm>> -> memref<80x128xi32, #tpu.memory_space<hbm>>
      %dma_start3A_26 = arith.constant 0 : i32
      %dma_start3A_27 = arith.constant 0 : i32
      %dma_start3A_28 = tpu.memref_slice %arg4[%add3A, %dma_start3A_26, %dma_start3A_27] : memref<32x80x128xi32, #tpu.memory_space<hbm>> -> memref<1x80x128xi32, #tpu.memory_space<hbm>>
      %dma_start3A_29 = tpu.memref_squeeze %dma_start3A_28 : memref<1x80x128xi32, #tpu.memory_space<hbm>> -> memref<80x128xi32, #tpu.memory_space<hbm>>
      tpu.enqueue_dma source(%dma_start3A_29 : memref<80x128xi32, #tpu.memory_space<hbm>>) target(%arg10 : memref<80x128xi32, #tpu.memory_space<vmem>>) target_semaphore(%run_scoped3A : memref<!tpu.dma_semaphore, #tpu.memory_space<semaphore_mem>>)
      %dma_wait3A_30 = arith.constant 0 : i32
      %dma_wait3A_31 = arith.constant 0 : i32
      %dma_wait3A_32 = tpu.memref_slice %arg4[%add3A, %dma_wait3A_30, %dma_wait3A_31] : memref<32x80x128xi32, #tpu.memory_space<hbm>> -> memref<1x80x128xi32, #tpu.memory_space<hbm>>
      %dma_wait3A_33 = tpu.memref_squeeze %dma_wait3A_32 : memref<1x80x128xi32, #tpu.memory_space<hbm>> -> memref<80x128xi32, #tpu.memory_space<hbm>>
      %dma_wait3A_34 = arith.constant 0 : i32
      %dma_wait3A_35 = arith.constant 0 : i32
      %dma_wait3A_36 = tpu.memref_slice %arg4[%add3A, %dma_wait3A_34, %dma_wait3A_35] : memref<32x80x128xi32, #tpu.memory_space<hbm>> -> memref<1x80x128xi32, #tpu.memory_space<hbm>>
      %dma_wait3A_37 = tpu.memref_squeeze %dma_wait3A_36 : memref<1x80x128xi32, #tpu.memory_space<hbm>> -> memref<80x128xi32, #tpu.memory_space<hbm>>
      tpu.wait_dma2 semaphore(%run_scoped3A : memref<!tpu.dma_semaphore, #tpu.memory_space<semaphore_mem>>) src(%dma_wait3A_37 : memref<80x128xi32, #tpu.memory_space<hbm>>) dst(%arg10 : memref<80x128xi32, #tpu.memory_space<vmem>>)
      tpu.yield
    }) : () -> ()
    "tpu.region"() ({
      %run_scoped3A = tpu.sem_alloc : memref<!tpu.dma_semaphore, #tpu.memory_space<semaphore_mem>>
      tpu.enqueue_dma source(%arg6 : memref<128x8xf32, #tpu.memory_space<hbm>>) target(%arg11 : memref<128x8xf32, #tpu.memory_space<vmem>>) target_semaphore(%run_scoped3A : memref<!tpu.dma_semaphore, #tpu.memory_space<semaphore_mem>>)
      tpu.wait_dma2 semaphore(%run_scoped3A : memref<!tpu.dma_semaphore, #tpu.memory_space<semaphore_mem>>) src(%arg6 : memref<128x8xf32, #tpu.memory_space<hbm>>) dst(%arg11 : memref<128x8xf32, #tpu.memory_space<vmem>>)
      tpu.yield
    }) : () -> ()
    "tpu.region"() ({
      %run_scoped3A = tpu.sem_alloc : memref<!tpu.dma_semaphore, #tpu.memory_space<semaphore_mem>>
      tpu.enqueue_dma source(%arg6 : memref<128x8xf32, #tpu.memory_space<hbm>>) target(%arg12 : memref<128x8xf32, #tpu.memory_space<vmem>>) target_semaphore(%run_scoped3A : memref<!tpu.dma_semaphore, #tpu.memory_space<semaphore_mem>>)
      tpu.wait_dma2 semaphore(%run_scoped3A : memref<!tpu.dma_semaphore, #tpu.memory_space<semaphore_mem>>) src(%arg6 : memref<128x8xf32, #tpu.memory_space<hbm>>) dst(%arg12 : memref<128x8xf32, #tpu.memory_space<vmem>>)
      tpu.yield
    }) : () -> ()
    "tpu.region"() ({
      %run_scoped3A = tpu.sem_alloc : memref<!tpu.dma_semaphore, #tpu.memory_space<semaphore_mem>>
      %dma_start3A_22 = arith.constant 0 : i32
      %dma_start3A_23 = tpu.memref_slice %arg13[%mul3A_2, %dma_start3A_22] : memref<10240x8xf32, #tpu.memory_space<vmem_shared>> -> memref<640x8xf32, #tpu.memory_space<vmem_shared>>
      tpu.enqueue_dma source(%arg5 : memref<640x8xf32, #tpu.memory_space<hbm>>) target(%dma_start3A_23 : memref<640x8xf32, #tpu.memory_space<vmem_shared>>) target_semaphore(%run_scoped3A : memref<!tpu.dma_semaphore, #tpu.memory_space<semaphore_mem>>)
      %dma_wait3A_24 = arith.constant 0 : i32
      %dma_wait3A_25 = tpu.memref_slice %arg13[%mul3A_2, %dma_wait3A_24] : memref<10240x8xf32, #tpu.memory_space<vmem_shared>> -> memref<640x8xf32, #tpu.memory_space<vmem_shared>>
      tpu.wait_dma2 semaphore(%run_scoped3A : memref<!tpu.dma_semaphore, #tpu.memory_space<semaphore_mem>>) src(%arg5 : memref<640x8xf32, #tpu.memory_space<hbm>>) dst(%dma_wait3A_25 : memref<640x8xf32, #tpu.memory_space<vmem_shared>>)
      tpu.yield
    }) : () -> ()
    %barrier3A = arith.constant 0 : index
    tpu.barrier barrier_id(%barrier3A)
    %iota3A = tpu.iota {dimensions = array<i32: 0>} : vector<16xi32>
    %broadcast_in_dim3A = arith.constant 0 : i32
    %broadcast_in_dim3A_3 = vector.broadcast %broadcast_in_dim3A : i32 to vector<16xi32>
    %dma_start3A = arith.constant 0 : i32
    %dma_start3A_4 = arith.constant 0 : i32
    %dma_start3A_5 = tpu.memref_slice %arg9[%dma_start3A, %dma_start3A_4] : memref<80x128xi32, #tpu.memory_space<vmem>> -> memref<1x128xi32, #tpu.memory_space<vmem>>
    %dma_start3A_6 = tpu.memref_squeeze %dma_start3A_5 : memref<1x128xi32, #tpu.memory_space<vmem>> -> memref<128xi32, #tpu.memory_space<vmem>>
    %dma_start3A_7 = arith.constant 0 : i32
    %dma_start3A_8 = arith.constant 0 : i32
    %dma_start3A_9 = tpu.memref_slice %arg13[%dma_start3A_7, %dma_start3A_8] : memref<10240x8xf32, #tpu.memory_space<vmem_shared>> -> memref<10240x8xf32, #tpu.memory_space<vmem_shared>>
    tpu.enqueue_indirect_dma source(%arg12 : memref<128x8xf32, #tpu.memory_space<vmem>>) target(%dma_start3A_9 : memref<10240x8xf32, #tpu.memory_space<vmem_shared>>) offsets(%dma_start3A_6 : memref<128xi32, #tpu.memory_space<vmem>>) semaphore(%arg15 : memref<!tpu.dma_semaphore, #tpu.memory_space<semaphore_mem>>) {add = true}
    %scan3A = arith.constant 0 : i32
    %scan3A_10 = arith.constant 0 : i32
    %scan3A_11 = arith.constant 40 : i32
    %scan3A_12 = arith.addi %scan3A_10, %scan3A_11 : i32
    %scan3A_13 = arith.constant 1 : i32
    scf.for %scan3A_22 = %scan3A_10 to %scan3A_12 step %scan3A_13  : i32 {
      %mul3A_23 = arith.constant 2 : i32
      %mul3A_24 = arith.muli %mul3A_23, %scan3A_22 : i32
      %mul3A_25 = arith.constant 2 : i32
      %mul3A_26 = arith.muli %mul3A_25, %scan3A_22 : i32
      %add3A_27 = arith.constant 1 : i32
      %add3A_28 = arith.addi %mul3A_26, %add3A_27 : i32
      %get3A = arith.index_cast %mul3A_24 : i32 to index
      %get3A_29 = arith.constant 0 : index
      %get3A_30 = tpu.vector_load %arg10[%get3A, %get3A_29] {strides = array<i32>} : memref<80x128xi32, #tpu.memory_space<vmem>>, vector<16xi32>,
      %gather3A = tpu.vector_load_idx %arg8[%get3A_30] : memref<10240xf32, #tpu.memory_space<vmem>>[vector<16xi32>], vector<16xf32>,
      %add3A_31 = arith.constant 0 : i32
      %add3A_32 = vector.broadcast %add3A_31 : i32 to vector<16xi32>
      %add3A_33 = arith.addi %add3A_32, %iota3A : vector<16xi32>
      tpu.vector_store_idx %arg11[%add3A_33, %broadcast_in_dim3A_3], %gather3A : memref<128x8xf32, #tpu.memory_space<vmem>>[vector<16xi32>, vector<16xi32>], vector<16xf32>,
      %get3A_34 = arith.index_cast %mul3A_24 : i32 to index
      %get3A_35 = arith.constant 16 : index
      %get3A_36 = tpu.vector_load %arg10[%get3A_34, %get3A_35] {strides = array<i32>} : memref<80x128xi32, #tpu.memory_space<vmem>>, vector<16xi32>,
      %gather3A_37 = tpu.vector_load_idx %arg8[%get3A_36] : memref<10240xf32, #tpu.memory_space<vmem>>[vector<16xi32>], vector<16xf32>,
      %add3A_38 = arith.constant 16 : i32
      %add3A_39 = vector.broadcast %add3A_38 : i32 to vector<16xi32>
      %add3A_40 = arith.addi %add3A_39, %iota3A : vector<16xi32>
      tpu.vector_store_idx %arg11[%add3A_40, %broadcast_in_dim3A_3], %gather3A_37 : memref<128x8xf32, #tpu.memory_space<vmem>>[vector<16xi32>, vector<16xi32>], vector<16xf32>,
      %get3A_41 = arith.index_cast %mul3A_24 : i32 to index
      %get3A_42 = arith.constant 32 : index
      %get3A_43 = tpu.vector_load %arg10[%get3A_41, %get3A_42] {strides = array<i32>} : memref<80x128xi32, #tpu.memory_space<vmem>>, vector<16xi32>,
      %gather3A_44 = tpu.vector_load_idx %arg8[%get3A_43] : memref<10240xf32, #tpu.memory_space<vmem>>[vector<16xi32>], vector<16xf32>,
      %add3A_45 = arith.constant 32 : i32
      %add3A_46 = vector.broadcast %add3A_45 : i32 to vector<16xi32>
      %add3A_47 = arith.addi %add3A_46, %iota3A : vector<16xi32>
      tpu.vector_store_idx %arg11[%add3A_47, %broadcast_in_dim3A_3], %gather3A_44 : memref<128x8xf32, #tpu.memory_space<vmem>>[vector<16xi32>, vector<16xi32>], vector<16xf32>,
      %get3A_48 = arith.index_cast %mul3A_24 : i32 to index
      %get3A_49 = arith.constant 48 : index
      %get3A_50 = tpu.vector_load %arg10[%get3A_48, %get3A_49] {strides = array<i32>} : memref<80x128xi32, #tpu.memory_space<vmem>>, vector<16xi32>,
      %gather3A_51 = tpu.vector_load_idx %arg8[%get3A_50] : memref<10240xf32, #tpu.memory_space<vmem>>[vector<16xi32>], vector<16xf32>,
      %add3A_52 = arith.constant 48 : i32
      %add3A_53 = vector.broadcast %add3A_52 : i32 to vector<16xi32>
      %add3A_54 = arith.addi %add3A_53, %iota3A : vector<16xi32>
      tpu.vector_store_idx %arg11[%add3A_54, %broadcast_in_dim3A_3], %gather3A_51 : memref<128x8xf32, #tpu.memory_space<vmem>>[vector<16xi32>, vector<16xi32>], vector<16xf32>,
      %get3A_55 = arith.index_cast %mul3A_24 : i32 to index
      %get3A_56 = arith.constant 64 : index
      %get3A_57 = tpu.vector_load %arg10[%get3A_55, %get3A_56] {strides = array<i32>} : memref<80x128xi32, #tpu.memory_space<vmem>>, vector<16xi32>,
      %gather3A_58 = tpu.vector_load_idx %arg8[%get3A_57] : memref<10240xf32, #tpu.memory_space<vmem>>[vector<16xi32>], vector<16xf32>,
      %add3A_59 = arith.constant 64 : i32
      %add3A_60 = vector.broadcast %add3A_59 : i32 to vector<16xi32>
      %add3A_61 = arith.addi %add3A_60, %iota3A : vector<16xi32>
      tpu.vector_store_idx %arg11[%add3A_61, %broadcast_in_dim3A_3], %gather3A_58 : memref<128x8xf32, #tpu.memory_space<vmem>>[vector<16xi32>, vector<16xi32>], vector<16xf32>,
      %get3A_62 = arith.index_cast %mul3A_24 : i32 to index
      %get3A_63 = arith.constant 80 : index
      %get3A_64 = tpu.vector_load %arg10[%get3A_62, %get3A_63] {strides = array<i32>} : memref<80x128xi32, #tpu.memory_space<vmem>>, vector<16xi32>,
      %gather3A_65 = tpu.vector_load_idx %arg8[%get3A_64] : memref<10240xf32, #tpu.memory_space<vmem>>[vector<16xi32>], vector<16xf32>,
      %add3A_66 = arith.constant 80 : i32
      %add3A_67 = vector.broadcast %add3A_66 : i32 to vector<16xi32>
      %add3A_68 = arith.addi %add3A_67, %iota3A : vector<16xi32>
      tpu.vector_store_idx %arg11[%add3A_68, %broadcast_in_dim3A_3], %gather3A_65 : memref<128x8xf32, #tpu.memory_space<vmem>>[vector<16xi32>, vector<16xi32>], vector<16xf32>,
      %get3A_69 = arith.index_cast %mul3A_24 : i32 to index
      %get3A_70 = arith.constant 96 : index
      %get3A_71 = tpu.vector_load %arg10[%get3A_69, %get3A_70] {strides = array<i32>} : memref<80x128xi32, #tpu.memory_space<vmem>>, vector<16xi32>,
      %gather3A_72 = tpu.vector_load_idx %arg8[%get3A_71] : memref<10240xf32, #tpu.memory_space<vmem>>[vector<16xi32>], vector<16xf32>,
      %add3A_73 = arith.constant 96 : i32
      %add3A_74 = vector.broadcast %add3A_73 : i32 to vector<16xi32>
      %add3A_75 = arith.addi %add3A_74, %iota3A : vector<16xi32>
      tpu.vector_store_idx %arg11[%add3A_75, %broadcast_in_dim3A_3], %gather3A_72 : memref<128x8xf32, #tpu.memory_space<vmem>>[vector<16xi32>, vector<16xi32>], vector<16xf32>,
      %get3A_76 = arith.index_cast %mul3A_24 : i32 to index
      %get3A_77 = arith.constant 112 : index
      %get3A_78 = tpu.vector_load %arg10[%get3A_76, %get3A_77] {strides = array<i32>} : memref<80x128xi32, #tpu.memory_space<vmem>>, vector<16xi32>,
      %gather3A_79 = tpu.vector_load_idx %arg8[%get3A_78] : memref<10240xf32, #tpu.memory_space<vmem>>[vector<16xi32>], vector<16xf32>,
      %add3A_80 = arith.constant 112 : i32
      %add3A_81 = vector.broadcast %add3A_80 : i32 to vector<16xi32>
      %add3A_82 = arith.addi %add3A_81, %iota3A : vector<16xi32>
      tpu.vector_store_idx %arg11[%add3A_82, %broadcast_in_dim3A_3], %gather3A_79 : memref<128x8xf32, #tpu.memory_space<vmem>>[vector<16xi32>, vector<16xi32>], vector<16xf32>,
      %dma_wait3A_83 = arith.constant 0 : i32
      %dma_wait3A_84 = arith.constant 0 : i32
      %dma_wait3A_85 = tpu.memref_slice %arg9[%dma_wait3A_83, %dma_wait3A_84] : memref<80x128xi32, #tpu.memory_space<vmem>> -> memref<1x128xi32, #tpu.memory_space<vmem>>
      %dma_wait3A_86 = tpu.memref_squeeze %dma_wait3A_85 : memref<1x128xi32, #tpu.memory_space<vmem>> -> memref<128xi32, #tpu.memory_space<vmem>>
      %dma_wait3A_87 = arith.constant 0 : i32
      %dma_wait3A_88 = arith.constant 0 : i32
      %dma_wait3A_89 = tpu.memref_slice %arg13[%dma_wait3A_87, %dma_wait3A_88] : memref<10240x8xf32, #tpu.memory_space<vmem_shared>> -> memref<10240x8xf32, #tpu.memory_space<vmem_shared>>
      tpu.wait_indirect_dma semaphore(%arg15 : memref<!tpu.dma_semaphore, #tpu.memory_space<semaphore_mem>>) src(%arg12 : memref<128x8xf32, #tpu.memory_space<vmem>>) dst(%dma_wait3A_89 : memref<10240x8xf32, #tpu.memory_space<vmem_shared>>)
      %dma_start3A_90 = arith.constant 0 : i32
      %dma_start3A_91 = tpu.memref_slice %arg9[%mul3A_24, %dma_start3A_90] : memref<80x128xi32, #tpu.memory_space<vmem>> -> memref<1x128xi32, #tpu.memory_space<vmem>>
      %dma_start3A_92 = tpu.memref_squeeze %dma_start3A_91 : memref<1x128xi32, #tpu.memory_space<vmem>> -> memref<128xi32, #tpu.memory_space<vmem>>
      %dma_start3A_93 = arith.constant 0 : i32
      %dma_start3A_94 = arith.constant 0 : i32
      %dma_start3A_95 = tpu.memref_slice %arg13[%dma_start3A_93, %dma_start3A_94] : memref<10240x8xf32, #tpu.memory_space<vmem_shared>> -> memref<10240x8xf32, #tpu.memory_space<vmem_shared>>
      tpu.enqueue_indirect_dma source(%arg11 : memref<128x8xf32, #tpu.memory_space<vmem>>) target(%dma_start3A_95 : memref<10240x8xf32, #tpu.memory_space<vmem_shared>>) offsets(%dma_start3A_92 : memref<128xi32, #tpu.memory_space<vmem>>) semaphore(%arg14 : memref<!tpu.dma_semaphore, #tpu.memory_space<semaphore_mem>>) {add = true}
      %get3A_96 = arith.index_cast %add3A_28 : i32 to index
      %get3A_97 = arith.constant 0 : index
      %get3A_98 = tpu.vector_load %arg10[%get3A_96, %get3A_97] {strides = array<i32>} : memref<80x128xi32, #tpu.memory_space<vmem>>, vector<16xi32>,
      %gather3A_99 = tpu.vector_load_idx %arg8[%get3A_98] : memref<10240xf32, #tpu.memory_space<vmem>>[vector<16xi32>], vector<16xf32>,
      %add3A_100 = arith.constant 0 : i32
      %add3A_101 = vector.broadcast %add3A_100 : i32 to vector<16xi32>
      %add3A_102 = arith.addi %add3A_101, %iota3A : vector<16xi32>
      tpu.vector_store_idx %arg12[%add3A_102, %broadcast_in_dim3A_3], %gather3A_99 : memref<128x8xf32, #tpu.memory_space<vmem>>[vector<16xi32>, vector<16xi32>], vector<16xf32>,
      %get3A_103 = arith.index_cast %add3A_28 : i32 to index
      %get3A_104 = arith.constant 16 : index
      %get3A_105 = tpu.vector_load %arg10[%get3A_103, %get3A_104] {strides = array<i32>} : memref<80x128xi32, #tpu.memory_space<vmem>>, vector<16xi32>,
      %gather3A_106 = tpu.vector_load_idx %arg8[%get3A_105] : memref<10240xf32, #tpu.memory_space<vmem>>[vector<16xi32>], vector<16xf32>,
      %add3A_107 = arith.constant 16 : i32
      %add3A_108 = vector.broadcast %add3A_107 : i32 to vector<16xi32>
      %add3A_109 = arith.addi %add3A_108, %iota3A : vector<16xi32>
      tpu.vector_store_idx %arg12[%add3A_109, %broadcast_in_dim3A_3], %gather3A_106 : memref<128x8xf32, #tpu.memory_space<vmem>>[vector<16xi32>, vector<16xi32>], vector<16xf32>,
      %get3A_110 = arith.index_cast %add3A_28 : i32 to index
      %get3A_111 = arith.constant 32 : index
      %get3A_112 = tpu.vector_load %arg10[%get3A_110, %get3A_111] {strides = array<i32>} : memref<80x128xi32, #tpu.memory_space<vmem>>, vector<16xi32>,
      %gather3A_113 = tpu.vector_load_idx %arg8[%get3A_112] : memref<10240xf32, #tpu.memory_space<vmem>>[vector<16xi32>], vector<16xf32>,
      %add3A_114 = arith.constant 32 : i32
      %add3A_115 = vector.broadcast %add3A_114 : i32 to vector<16xi32>
      %add3A_116 = arith.addi %add3A_115, %iota3A : vector<16xi32>
      tpu.vector_store_idx %arg12[%add3A_116, %broadcast_in_dim3A_3], %gather3A_113 : memref<128x8xf32, #tpu.memory_space<vmem>>[vector<16xi32>, vector<16xi32>], vector<16xf32>,
      %get3A_117 = arith.index_cast %add3A_28 : i32 to index
      %get3A_118 = arith.constant 48 : index
      %get3A_119 = tpu.vector_load %arg10[%get3A_117, %get3A_118] {strides = array<i32>} : memref<80x128xi32, #tpu.memory_space<vmem>>, vector<16xi32>,
      %gather3A_120 = tpu.vector_load_idx %arg8[%get3A_119] : memref<10240xf32, #tpu.memory_space<vmem>>[vector<16xi32>], vector<16xf32>,
      %add3A_121 = arith.constant 48 : i32
      %add3A_122 = vector.broadcast %add3A_121 : i32 to vector<16xi32>
      %add3A_123 = arith.addi %add3A_122, %iota3A : vector<16xi32>
      tpu.vector_store_idx %arg12[%add3A_123, %broadcast_in_dim3A_3], %gather3A_120 : memref<128x8xf32, #tpu.memory_space<vmem>>[vector<16xi32>, vector<16xi32>], vector<16xf32>,
      %get3A_124 = arith.index_cast %add3A_28 : i32 to index
      %get3A_125 = arith.constant 64 : index
      %get3A_126 = tpu.vector_load %arg10[%get3A_124, %get3A_125] {strides = array<i32>} : memref<80x128xi32, #tpu.memory_space<vmem>>, vector<16xi32>,
      %gather3A_127 = tpu.vector_load_idx %arg8[%get3A_126] : memref<10240xf32, #tpu.memory_space<vmem>>[vector<16xi32>], vector<16xf32>,
      %add3A_128 = arith.constant 64 : i32
      %add3A_129 = vector.broadcast %add3A_128 : i32 to vector<16xi32>
      %add3A_130 = arith.addi %add3A_129, %iota3A : vector<16xi32>
      tpu.vector_store_idx %arg12[%add3A_130, %broadcast_in_dim3A_3], %gather3A_127 : memref<128x8xf32, #tpu.memory_space<vmem>>[vector<16xi32>, vector<16xi32>], vector<16xf32>,
      %get3A_131 = arith.index_cast %add3A_28 : i32 to index
      %get3A_132 = arith.constant 80 : index
      %get3A_133 = tpu.vector_load %arg10[%get3A_131, %get3A_132] {strides = array<i32>} : memref<80x128xi32, #tpu.memory_space<vmem>>, vector<16xi32>,
      %gather3A_134 = tpu.vector_load_idx %arg8[%get3A_133] : memref<10240xf32, #tpu.memory_space<vmem>>[vector<16xi32>], vector<16xf32>,
      %add3A_135 = arith.constant 80 : i32
      %add3A_136 = vector.broadcast %add3A_135 : i32 to vector<16xi32>
      %add3A_137 = arith.addi %add3A_136, %iota3A : vector<16xi32>
      tpu.vector_store_idx %arg12[%add3A_137, %broadcast_in_dim3A_3], %gather3A_134 : memref<128x8xf32, #tpu.memory_space<vmem>>[vector<16xi32>, vector<16xi32>], vector<16xf32>,
      %get3A_138 = arith.index_cast %add3A_28 : i32 to index
      %get3A_139 = arith.constant 96 : index
      %get3A_140 = tpu.vector_load %arg10[%get3A_138, %get3A_139] {strides = array<i32>} : memref<80x128xi32, #tpu.memory_space<vmem>>, vector<16xi32>,
      %gather3A_141 = tpu.vector_load_idx %arg8[%get3A_140] : memref<10240xf32, #tpu.memory_space<vmem>>[vector<16xi32>], vector<16xf32>,
      %add3A_142 = arith.constant 96 : i32
      %add3A_143 = vector.broadcast %add3A_142 : i32 to vector<16xi32>
      %add3A_144 = arith.addi %add3A_143, %iota3A : vector<16xi32>
      tpu.vector_store_idx %arg12[%add3A_144, %broadcast_in_dim3A_3], %gather3A_141 : memref<128x8xf32, #tpu.memory_space<vmem>>[vector<16xi32>, vector<16xi32>], vector<16xf32>,
      %get3A_145 = arith.index_cast %add3A_28 : i32 to index
      %get3A_146 = arith.constant 112 : index
      %get3A_147 = tpu.vector_load %arg10[%get3A_145, %get3A_146] {strides = array<i32>} : memref<80x128xi32, #tpu.memory_space<vmem>>, vector<16xi32>,
      %gather3A_148 = tpu.vector_load_idx %arg8[%get3A_147] : memref<10240xf32, #tpu.memory_space<vmem>>[vector<16xi32>], vector<16xf32>,
      %add3A_149 = arith.constant 112 : i32
      %add3A_150 = vector.broadcast %add3A_149 : i32 to vector<16xi32>
      %add3A_151 = arith.addi %add3A_150, %iota3A : vector<16xi32>
      tpu.vector_store_idx %arg12[%add3A_151, %broadcast_in_dim3A_3], %gather3A_148 : memref<128x8xf32, #tpu.memory_space<vmem>>[vector<16xi32>, vector<16xi32>], vector<16xf32>,
      %dma_wait3A_152 = arith.constant 0 : i32
      %dma_wait3A_153 = arith.constant 0 : i32
      %dma_wait3A_154 = tpu.memref_slice %arg9[%dma_wait3A_152, %dma_wait3A_153] : memref<80x128xi32, #tpu.memory_space<vmem>> -> memref<1x128xi32, #tpu.memory_space<vmem>>
      %dma_wait3A_155 = tpu.memref_squeeze %dma_wait3A_154 : memref<1x128xi32, #tpu.memory_space<vmem>> -> memref<128xi32, #tpu.memory_space<vmem>>
      %dma_wait3A_156 = arith.constant 0 : i32
      %dma_wait3A_157 = arith.constant 0 : i32
      %dma_wait3A_158 = tpu.memref_slice %arg13[%dma_wait3A_156, %dma_wait3A_157] : memref<10240x8xf32, #tpu.memory_space<vmem_shared>> -> memref<10240x8xf32, #tpu.memory_space<vmem_shared>>
      tpu.wait_indirect_dma semaphore(%arg14 : memref<!tpu.dma_semaphore, #tpu.memory_space<semaphore_mem>>) src(%arg11 : memref<128x8xf32, #tpu.memory_space<vmem>>) dst(%dma_wait3A_158 : memref<10240x8xf32, #tpu.memory_space<vmem_shared>>)
      %dma_start3A_159 = arith.constant 0 : i32
      %dma_start3A_160 = tpu.memref_slice %arg9[%add3A_28, %dma_start3A_159] : memref<80x128xi32, #tpu.memory_space<vmem>> -> memref<1x128xi32, #tpu.memory_space<vmem>>
      %dma_start3A_161 = tpu.memref_squeeze %dma_start3A_160 : memref<1x128xi32, #tpu.memory_space<vmem>> -> memref<128xi32, #tpu.memory_space<vmem>>
      %dma_start3A_162 = arith.constant 0 : i32
      %dma_start3A_163 = arith.constant 0 : i32
      %dma_start3A_164 = tpu.memref_slice %arg13[%dma_start3A_162, %dma_start3A_163] : memref<10240x8xf32, #tpu.memory_space<vmem_shared>> -> memref<10240x8xf32, #tpu.memory_space<vmem_shared>>
      tpu.enqueue_indirect_dma source(%arg12 : memref<128x8xf32, #tpu.memory_space<vmem>>) target(%dma_start3A_164 : memref<10240x8xf32, #tpu.memory_space<vmem_shared>>) offsets(%dma_start3A_161 : memref<128xi32, #tpu.memory_space<vmem>>) semaphore(%arg15 : memref<!tpu.dma_semaphore, #tpu.memory_space<semaphore_mem>>) {add = true}
    }
    %scan3A_14 = arith.constant 40 : i32
    %dma_wait3A = arith.constant 0 : i32
    %dma_wait3A_15 = arith.constant 0 : i32
    %dma_wait3A_16 = tpu.memref_slice %arg9[%dma_wait3A, %dma_wait3A_15] : memref<80x128xi32, #tpu.memory_space<vmem>> -> memref<1x128xi32, #tpu.memory_space<vmem>>
    %dma_wait3A_17 = tpu.memref_squeeze %dma_wait3A_16 : memref<1x128xi32, #tpu.memory_space<vmem>> -> memref<128xi32, #tpu.memory_space<vmem>>
    %dma_wait3A_18 = arith.constant 0 : i32
    %dma_wait3A_19 = arith.constant 0 : i32
    %dma_wait3A_20 = tpu.memref_slice %arg13[%dma_wait3A_18, %dma_wait3A_19] : memref<10240x8xf32, #tpu.memory_space<vmem_shared>> -> memref<10240x8xf32, #tpu.memory_space<vmem_shared>>
    tpu.wait_indirect_dma semaphore(%arg15 : memref<!tpu.dma_semaphore, #tpu.memory_space<semaphore_mem>>) src(%arg12 : memref<128x8xf32, #tpu.memory_space<vmem>>) dst(%dma_wait3A_20 : memref<10240x8xf32, #tpu.memory_space<vmem_shared>>)
    %barrier3A_21 = arith.constant 0 : index
    tpu.barrier barrier_id(%barrier3A_21)
    "tpu.region"() ({
      %run_scoped3A = tpu.sem_alloc : memref<!tpu.dma_semaphore, #tpu.memory_space<semaphore_mem>>
      %dma_start3A_22 = arith.constant 0 : i32
      %dma_start3A_23 = tpu.memref_slice %arg7[%arg0, %mul3A_2, %dma_start3A_22] : memref<2x10240x8xf32, #tpu.memory_space<hbm>> -> memref<1x640x8xf32, #tpu.memory_space<hbm>>
      %dma_start3A_24 = tpu.memref_squeeze %dma_start3A_23 : memref<1x640x8xf32, #tpu.memory_space<hbm>> -> memref<640x8xf32, #tpu.memory_space<hbm>>
      %dma_start3A_25 = arith.constant 0 : i32
      %dma_start3A_26 = tpu.memref_slice %arg13[%mul3A_2, %dma_start3A_25] : memref<10240x8xf32, #tpu.memory_space<vmem_shared>> -> memref<640x8xf32, #tpu.memory_space<vmem_shared>>
      tpu.enqueue_dma source(%dma_start3A_26 : memref<640x8xf32, #tpu.memory_space<vmem_shared>>) target(%dma_start3A_24 : memref<640x8xf32, #tpu.memory_space<hbm>>) target_semaphore(%run_scoped3A : memref<!tpu.dma_semaphore, #tpu.memory_space<semaphore_mem>>)
      %dma_wait3A_27 = arith.constant 0 : i32
      %dma_wait3A_28 = tpu.memref_slice %arg7[%arg0, %mul3A_2, %dma_wait3A_27] : memref<2x10240x8xf32, #tpu.memory_space<hbm>> -> memref<1x640x8xf32, #tpu.memory_space<hbm>>
      %dma_wait3A_29 = tpu.memref_squeeze %dma_wait3A_28 : memref<1x640x8xf32, #tpu.memory_space<hbm>> -> memref<640x8xf32, #tpu.memory_space<hbm>>
      %dma_wait3A_30 = arith.constant 0 : i32
      %dma_wait3A_31 = tpu.memref_slice %arg13[%mul3A_2, %dma_wait3A_30] : memref<10240x8xf32, #tpu.memory_space<vmem_shared>> -> memref<640x8xf32, #tpu.memory_space<vmem_shared>>
      tpu.wait_dma2 semaphore(%run_scoped3A : memref<!tpu.dma_semaphore, #tpu.memory_space<semaphore_mem>>) src(%dma_wait3A_31 : memref<640x8xf32, #tpu.memory_space<vmem_shared>>) dst(%dma_wait3A_29 : memref<640x8xf32, #tpu.memory_space<hbm>>)
      tpu.yield
    }) : () -> ()
    return
  }
}

#map = affine_map<(d0, d1) -> (0, 0)>
#map1 = affine_map<(d0, d1) -> (0, 0, 0)>
#map2 = affine_map<(d0, d1) -> (0)>
module attributes {stable_mosaic.version = 14 : i64} {
  func.func @_sc1(%arg0: i32, %arg1: i32, %arg2: memref<10000x64xf32, #tpu.memory_space<hbm>>, %arg3: memref<10000x64xf32, #tpu.memory_space<hbm>>, %arg4: memref<16x160x128xi32, #tpu.memory_space<hbm>>, %arg5: memref<16x160x128xi32, #tpu.memory_space<hbm>>, %arg6: memref<640x64xf32, #tpu.memory_space<hbm>>, %arg7: memref<640x8xf32, #tpu.memory_space<hbm>>, %arg8: memref<128x8xf32, #tpu.memory_space<hbm>>, %arg9: memref<2x10240x64xf32, #tpu.memory_space<hbm>>, %arg10: memref<2x10240x8xf32, #tpu.memory_space<hbm>>, %arg11: memref<10240xf32, #tpu.memory_space<hbm>>, %arg12: memref<160x128xi32, #tpu.memory_space<vmem>>, %arg13: memref<160x128xi32, #tpu.memory_space<vmem>>, %arg14: memref<128x64xf32, #tpu.memory_space<vmem>>, %arg15: memref<128x64xf32, #tpu.memory_space<vmem>>, %arg16: memref<128x64xf32, #tpu.memory_space<vmem>>, %arg17: memref<128x64xf32, #tpu.memory_space<vmem>>, %arg18: memref<128x8xf32, #tpu.memory_space<vmem>>, %arg19: memref<640x8xf32, #tpu.memory_space<vmem>>, %arg20: memref<640xf32, #tpu.memory_space<vmem>>, %arg21: memref<10240x64xf32, #tpu.memory_space<vmem_shared>>, %arg22: memref<10240x8xf32, #tpu.memory_space<vmem_shared>>, %arg23: memref<!tpu.dma_semaphore, #tpu.memory_space<semaphore_mem>>, %arg24: memref<!tpu.dma_semaphore, #tpu.memory_space<semaphore_mem>>, %arg25: memref<!tpu.dma_semaphore, #tpu.memory_space<semaphore_mem>>, %arg26: memref<!tpu.dma_semaphore, #tpu.memory_space<semaphore_mem>>) attributes {dimension_semantics = [#tpu.dimension_semantics<core_parallel>, #tpu.dimension_semantics<subcore_parallel>], iteration_bounds = array<i64: 2, 16>, scalar_prefetch = 0 : i64, scratch_operands = 15 : i64, tpu.core_type = #tpu.core_type<sc_vector_subcore>, window_params = [{transform_indices = #map}, {transform_indices = #map}, {transform_indices = #map1}, {transform_indices = #map1}, {transform_indices = #map}, {transform_indices = #map}, {transform_indices = #map}, {transform_indices = #map1}, {transform_indices = #map1}, {transform_indices = #map2}]} {
    %mul3A = arith.constant 640 : i32
    %mul3A_0 = arith.muli %arg1, %mul3A : i32
    "tpu.region"() ({
      %run_scoped3A = tpu.sem_alloc : memref<!tpu.dma_semaphore, #tpu.memory_space<semaphore_mem>>
      %dma_start3A = arith.constant 0 : i32
      %dma_start3A_14 = arith.constant 0 : i32
      %dma_start3A_15 = tpu.memref_slice %arg4[%arg1, %dma_start3A, %dma_start3A_14] : memref<16x160x128xi32, #tpu.memory_space<hbm>> -> memref<1x160x128xi32, #tpu.memory_space<hbm>>
      %dma_start3A_16 = tpu.memref_squeeze %dma_start3A_15 : memref<1x160x128xi32, #tpu.memory_space<hbm>> -> memref<160x128xi32, #tpu.memory_space<hbm>>
      %dma_start3A_17 = arith.constant 0 : i32
      %dma_start3A_18 = arith.constant 0 : i32
      %dma_start3A_19 = tpu.memref_slice %arg4[%arg1, %dma_start3A_17, %dma_start3A_18] : memref<16x160x128xi32, #tpu.memory_space<hbm>> -> memref<1x160x128xi32, #tpu.memory_space<hbm>>
      %dma_start3A_20 = tpu.memref_squeeze %dma_start3A_19 : memref<1x160x128xi32, #tpu.memory_space<hbm>> -> memref<160x128xi32, #tpu.memory_space<hbm>>
      tpu.enqueue_dma source(%dma_start3A_20 : memref<160x128xi32, #tpu.memory_space<hbm>>) target(%arg12 : memref<160x128xi32, #tpu.memory_space<vmem>>) target_semaphore(%run_scoped3A : memref<!tpu.dma_semaphore, #tpu.memory_space<semaphore_mem>>)
      %dma_wait3A = arith.constant 0 : i32
      %dma_wait3A_21 = arith.constant 0 : i32
      %dma_wait3A_22 = tpu.memref_slice %arg4[%arg1, %dma_wait3A, %dma_wait3A_21] : memref<16x160x128xi32, #tpu.memory_space<hbm>> -> memref<1x160x128xi32, #tpu.memory_space<hbm>>
      %dma_wait3A_23 = tpu.memref_squeeze %dma_wait3A_22 : memref<1x160x128xi32, #tpu.memory_space<hbm>> -> memref<160x128xi32, #tpu.memory_space<hbm>>
      %dma_wait3A_24 = arith.constant 0 : i32
      %dma_wait3A_25 = arith.constant 0 : i32
      %dma_wait3A_26 = tpu.memref_slice %arg4[%arg1, %dma_wait3A_24, %dma_wait3A_25] : memref<16x160x128xi32, #tpu.memory_space<hbm>> -> memref<1x160x128xi32, #tpu.memory_space<hbm>>
      %dma_wait3A_27 = tpu.memref_squeeze %dma_wait3A_26 : memref<1x160x128xi32, #tpu.memory_space<hbm>> -> memref<160x128xi32, #tpu.memory_space<hbm>>
      tpu.wait_dma2 semaphore(%run_scoped3A : memref<!tpu.dma_semaphore, #tpu.memory_space<semaphore_mem>>) src(%dma_wait3A_27 : memref<160x128xi32, #tpu.memory_space<hbm>>) dst(%arg12 : memref<160x128xi32, #tpu.memory_space<vmem>>)
      tpu.yield
    }) : () -> ()
    "tpu.region"() ({
      %run_scoped3A = tpu.sem_alloc : memref<!tpu.dma_semaphore, #tpu.memory_space<semaphore_mem>>
      %dma_start3A = arith.constant 0 : i32
      %dma_start3A_14 = arith.constant 0 : i32
      %dma_start3A_15 = tpu.memref_slice %arg5[%arg1, %dma_start3A, %dma_start3A_14] : memref<16x160x128xi32, #tpu.memory_space<hbm>> -> memref<1x160x128xi32, #tpu.memory_space<hbm>>
      %dma_start3A_16 = tpu.memref_squeeze %dma_start3A_15 : memref<1x160x128xi32, #tpu.memory_space<hbm>> -> memref<160x128xi32, #tpu.memory_space<hbm>>
      %dma_start3A_17 = arith.constant 0 : i32
      %dma_start3A_18 = arith.constant 0 : i32
      %dma_start3A_19 = tpu.memref_slice %arg5[%arg1, %dma_start3A_17, %dma_start3A_18] : memref<16x160x128xi32, #tpu.memory_space<hbm>> -> memref<1x160x128xi32, #tpu.memory_space<hbm>>
      %dma_start3A_20 = tpu.memref_squeeze %dma_start3A_19 : memref<1x160x128xi32, #tpu.memory_space<hbm>> -> memref<160x128xi32, #tpu.memory_space<hbm>>
      tpu.enqueue_dma source(%dma_start3A_20 : memref<160x128xi32, #tpu.memory_space<hbm>>) target(%arg13 : memref<160x128xi32, #tpu.memory_space<vmem>>) target_semaphore(%run_scoped3A : memref<!tpu.dma_semaphore, #tpu.memory_space<semaphore_mem>>)
      %dma_wait3A = arith.constant 0 : i32
      %dma_wait3A_21 = arith.constant 0 : i32
      %dma_wait3A_22 = tpu.memref_slice %arg5[%arg1, %dma_wait3A, %dma_wait3A_21] : memref<16x160x128xi32, #tpu.memory_space<hbm>> -> memref<1x160x128xi32, #tpu.memory_space<hbm>>
      %dma_wait3A_23 = tpu.memref_squeeze %dma_wait3A_22 : memref<1x160x128xi32, #tpu.memory_space<hbm>> -> memref<160x128xi32, #tpu.memory_space<hbm>>
      %dma_wait3A_24 = arith.constant 0 : i32
      %dma_wait3A_25 = arith.constant 0 : i32
      %dma_wait3A_26 = tpu.memref_slice %arg5[%arg1, %dma_wait3A_24, %dma_wait3A_25] : memref<16x160x128xi32, #tpu.memory_space<hbm>> -> memref<1x160x128xi32, #tpu.memory_space<hbm>>
      %dma_wait3A_27 = tpu.memref_squeeze %dma_wait3A_26 : memref<1x160x128xi32, #tpu.memory_space<hbm>> -> memref<160x128xi32, #tpu.memory_space<hbm>>
      tpu.wait_dma2 semaphore(%run_scoped3A : memref<!tpu.dma_semaphore, #tpu.memory_space<semaphore_mem>>) src(%dma_wait3A_27 : memref<160x128xi32, #tpu.memory_space<hbm>>) dst(%arg13 : memref<160x128xi32, #tpu.memory_space<vmem>>)
      tpu.yield
    }) : () -> ()
    "tpu.region"() ({
      %run_scoped3A = tpu.sem_alloc : memref<!tpu.dma_semaphore, #tpu.memory_space<semaphore_mem>>
      tpu.enqueue_dma source(%arg8 : memref<128x8xf32, #tpu.memory_space<hbm>>) target(%arg18 : memref<128x8xf32, #tpu.memory_space<vmem>>) target_semaphore(%run_scoped3A : memref<!tpu.dma_semaphore, #tpu.memory_space<semaphore_mem>>)
      tpu.wait_dma2 semaphore(%run_scoped3A : memref<!tpu.dma_semaphore, #tpu.memory_space<semaphore_mem>>) src(%arg8 : memref<128x8xf32, #tpu.memory_space<hbm>>) dst(%arg18 : memref<128x8xf32, #tpu.memory_space<vmem>>)
      tpu.yield
    }) : () -> ()
    "tpu.region"() ({
      %run_scoped3A = tpu.sem_alloc : memref<!tpu.dma_semaphore, #tpu.memory_space<semaphore_mem>>
      %dma_start3A = arith.constant 0 : i32
      %dma_start3A_14 = tpu.memref_slice %arg21[%mul3A_0, %dma_start3A] : memref<10240x64xf32, #tpu.memory_space<vmem_shared>> -> memref<640x64xf32, #tpu.memory_space<vmem_shared>>
      tpu.enqueue_dma source(%arg6 : memref<640x64xf32, #tpu.memory_space<hbm>>) target(%dma_start3A_14 : memref<640x64xf32, #tpu.memory_space<vmem_shared>>) target_semaphore(%run_scoped3A : memref<!tpu.dma_semaphore, #tpu.memory_space<semaphore_mem>>)
      %dma_wait3A = arith.constant 0 : i32
      %dma_wait3A_15 = tpu.memref_slice %arg21[%mul3A_0, %dma_wait3A] : memref<10240x64xf32, #tpu.memory_space<vmem_shared>> -> memref<640x64xf32, #tpu.memory_space<vmem_shared>>
      tpu.wait_dma2 semaphore(%run_scoped3A : memref<!tpu.dma_semaphore, #tpu.memory_space<semaphore_mem>>) src(%arg6 : memref<640x64xf32, #tpu.memory_space<hbm>>) dst(%dma_wait3A_15 : memref<640x64xf32, #tpu.memory_space<vmem_shared>>)
      tpu.yield
    }) : () -> ()
    "tpu.region"() ({
      %run_scoped3A = tpu.sem_alloc : memref<!tpu.dma_semaphore, #tpu.memory_space<semaphore_mem>>
      %dma_start3A = arith.constant 0 : i32
      %dma_start3A_14 = tpu.memref_slice %arg22[%mul3A_0, %dma_start3A] : memref<10240x8xf32, #tpu.memory_space<vmem_shared>> -> memref<640x8xf32, #tpu.memory_space<vmem_shared>>
      tpu.enqueue_dma source(%arg7 : memref<640x8xf32, #tpu.memory_space<hbm>>) target(%dma_start3A_14 : memref<640x8xf32, #tpu.memory_space<vmem_shared>>) target_semaphore(%run_scoped3A : memref<!tpu.dma_semaphore, #tpu.memory_space<semaphore_mem>>)
      %dma_wait3A = arith.constant 0 : i32
      %dma_wait3A_15 = tpu.memref_slice %arg22[%mul3A_0, %dma_wait3A] : memref<10240x8xf32, #tpu.memory_space<vmem_shared>> -> memref<640x8xf32, #tpu.memory_space<vmem_shared>>
      tpu.wait_dma2 semaphore(%run_scoped3A : memref<!tpu.dma_semaphore, #tpu.memory_space<semaphore_mem>>) src(%arg7 : memref<640x8xf32, #tpu.memory_space<hbm>>) dst(%dma_wait3A_15 : memref<640x8xf32, #tpu.memory_space<vmem_shared>>)
      tpu.yield
    }) : () -> ()
    %barrier3A = arith.constant 0 : index
    tpu.barrier barrier_id(%barrier3A)
    %eq3A = arith.constant 0 : i32
    %eq3A_1 = arith.cmpi eq, %arg0, %eq3A : i32
    %convert_element_type3A = arith.extui %eq3A_1 : i1 to i32
    %cond3A = arith.constant 0 : i32
    %cond3A_2 = arith.cmpi ne, %convert_element_type3A, %cond3A : i32
    scf.if %cond3A_2 {
      %min3A = arith.constant 0 : i32
      %min3A_14 = arith.constant 159 : i32
      %min3A_15 = arith.minsi %min3A, %min3A_14 : i32
      %dma_start3A = arith.constant 0 : i32
      %dma_start3A_16 = tpu.memref_slice %arg12[%min3A_15, %dma_start3A] : memref<160x128xi32, #tpu.memory_space<vmem>> -> memref<1x128xi32, #tpu.memory_space<vmem>>
      %dma_start3A_17 = tpu.memref_squeeze %dma_start3A_16 : memref<1x128xi32, #tpu.memory_space<vmem>> -> memref<128xi32, #tpu.memory_space<vmem>>
      %dma_start3A_18 = arith.constant 0 : i32
      %dma_start3A_19 = arith.constant 0 : i32
      %dma_start3A_20 = tpu.memref_slice %arg2[%dma_start3A_18, %dma_start3A_19] : memref<10000x64xf32, #tpu.memory_space<hbm>> -> memref<10000x64xf32, #tpu.memory_space<hbm>>
      tpu.enqueue_indirect_dma source(%dma_start3A_20 : memref<10000x64xf32, #tpu.memory_space<hbm>>) target(%arg14 : memref<128x64xf32, #tpu.memory_space<vmem>>) offsets(%dma_start3A_17 : memref<128xi32, #tpu.memory_space<vmem>>) semaphore(%arg23 : memref<!tpu.dma_semaphore, #tpu.memory_space<semaphore_mem>>)
      %min3A_21 = arith.constant 1 : i32
      %min3A_22 = arith.constant 159 : i32
      %min3A_23 = arith.minsi %min3A_21, %min3A_22 : i32
      %dma_start3A_24 = arith.constant 0 : i32
      %dma_start3A_25 = tpu.memref_slice %arg12[%min3A_23, %dma_start3A_24] : memref<160x128xi32, #tpu.memory_space<vmem>> -> memref<1x128xi32, #tpu.memory_space<vmem>>
      %dma_start3A_26 = tpu.memref_squeeze %dma_start3A_25 : memref<1x128xi32, #tpu.memory_space<vmem>> -> memref<128xi32, #tpu.memory_space<vmem>>
      %dma_start3A_27 = arith.constant 0 : i32
      %dma_start3A_28 = arith.constant 0 : i32
      %dma_start3A_29 = tpu.memref_slice %arg2[%dma_start3A_27, %dma_start3A_28] : memref<10000x64xf32, #tpu.memory_space<hbm>> -> memref<10000x64xf32, #tpu.memory_space<hbm>>
      tpu.enqueue_indirect_dma source(%dma_start3A_29 : memref<10000x64xf32, #tpu.memory_space<hbm>>) target(%arg15 : memref<128x64xf32, #tpu.memory_space<vmem>>) offsets(%dma_start3A_26 : memref<128xi32, #tpu.memory_space<vmem>>) semaphore(%arg24 : memref<!tpu.dma_semaphore, #tpu.memory_space<semaphore_mem>>)
      %min3A_30 = arith.constant 2 : i32
      %min3A_31 = arith.constant 159 : i32
      %min3A_32 = arith.minsi %min3A_30, %min3A_31 : i32
      %dma_start3A_33 = arith.constant 0 : i32
      %dma_start3A_34 = tpu.memref_slice %arg12[%min3A_32, %dma_start3A_33] : memref<160x128xi32, #tpu.memory_space<vmem>> -> memref<1x128xi32, #tpu.memory_space<vmem>>
      %dma_start3A_35 = tpu.memref_squeeze %dma_start3A_34 : memref<1x128xi32, #tpu.memory_space<vmem>> -> memref<128xi32, #tpu.memory_space<vmem>>
      %dma_start3A_36 = arith.constant 0 : i32
      %dma_start3A_37 = arith.constant 0 : i32
      %dma_start3A_38 = tpu.memref_slice %arg2[%dma_start3A_36, %dma_start3A_37] : memref<10000x64xf32, #tpu.memory_space<hbm>> -> memref<10000x64xf32, #tpu.memory_space<hbm>>
      tpu.enqueue_indirect_dma source(%dma_start3A_38 : memref<10000x64xf32, #tpu.memory_space<hbm>>) target(%arg16 : memref<128x64xf32, #tpu.memory_space<vmem>>) offsets(%dma_start3A_35 : memref<128xi32, #tpu.memory_space<vmem>>) semaphore(%arg25 : memref<!tpu.dma_semaphore, #tpu.memory_space<semaphore_mem>>)
      %scan3A = arith.constant 0 : i32
      %scan3A_39 = arith.constant 0 : i32
      %scan3A_40 = arith.constant 40 : i32
      %scan3A_41 = arith.addi %scan3A_39, %scan3A_40 : i32
      %scan3A_42 = arith.constant 1 : i32
      scf.for %scan3A_64 = %scan3A_39 to %scan3A_41 step %scan3A_42  : i32 {
        %mul3A_65 = arith.constant 4 : i32
        %mul3A_66 = arith.muli %mul3A_65, %scan3A_64 : i32
        %dma_wait3A_67 = arith.constant 0 : i32
        %dma_wait3A_68 = arith.constant 0 : i32
        %dma_wait3A_69 = tpu.memref_slice %arg12[%dma_wait3A_67, %dma_wait3A_68] : memref<160x128xi32, #tpu.memory_space<vmem>> -> memref<1x128xi32, #tpu.memory_space<vmem>>
        %dma_wait3A_70 = tpu.memref_squeeze %dma_wait3A_69 : memref<1x128xi32, #tpu.memory_space<vmem>> -> memref<128xi32, #tpu.memory_space<vmem>>
        %dma_wait3A_71 = arith.constant 0 : i32
        %dma_wait3A_72 = arith.constant 0 : i32
        %dma_wait3A_73 = tpu.memref_slice %arg2[%dma_wait3A_71, %dma_wait3A_72] : memref<10000x64xf32, #tpu.memory_space<hbm>> -> memref<10000x64xf32, #tpu.memory_space<hbm>>
        tpu.wait_indirect_dma semaphore(%arg23 : memref<!tpu.dma_semaphore, #tpu.memory_space<semaphore_mem>>) src(%dma_wait3A_73 : memref<10000x64xf32, #tpu.memory_space<hbm>>) dst(%arg14 : memref<128x64xf32, #tpu.memory_space<vmem>>)
        %add3A = arith.constant 0 : i32
        %add3A_74 = arith.addi %mul3A_66, %add3A : i32
        %add3A_75 = arith.constant 3 : i32
        %add3A_76 = arith.addi %add3A_74, %add3A_75 : i32
        %min3A_77 = arith.constant 159 : i32
        %min3A_78 = arith.minsi %add3A_76, %min3A_77 : i32
        %dma_start3A_79 = arith.constant 0 : i32
        %dma_start3A_80 = tpu.memref_slice %arg12[%min3A_78, %dma_start3A_79] : memref<160x128xi32, #tpu.memory_space<vmem>> -> memref<1x128xi32, #tpu.memory_space<vmem>>
        %dma_start3A_81 = tpu.memref_squeeze %dma_start3A_80 : memref<1x128xi32, #tpu.memory_space<vmem>> -> memref<128xi32, #tpu.memory_space<vmem>>
        %dma_start3A_82 = arith.constant 0 : i32
        %dma_start3A_83 = arith.constant 0 : i32
        %dma_start3A_84 = tpu.memref_slice %arg2[%dma_start3A_82, %dma_start3A_83] : memref<10000x64xf32, #tpu.memory_space<hbm>> -> memref<10000x64xf32, #tpu.memory_space<hbm>>
        tpu.enqueue_indirect_dma source(%dma_start3A_84 : memref<10000x64xf32, #tpu.memory_space<hbm>>) target(%arg17 : memref<128x64xf32, #tpu.memory_space<vmem>>) offsets(%dma_start3A_81 : memref<128xi32, #tpu.memory_space<vmem>>) semaphore(%arg26 : memref<!tpu.dma_semaphore, #tpu.memory_space<semaphore_mem>>)
        %add3A_85 = arith.constant 0 : i32
        %add3A_86 = arith.addi %mul3A_66, %add3A_85 : i32
        "tpu.region"() ({
          %run_scoped3A = tpu.sem_alloc : memref<!tpu.dma_semaphore, #tpu.memory_space<semaphore_mem>>
          %dma_start3A_150 = arith.constant 0 : i32
          %dma_start3A_151 = tpu.memref_slice %arg13[%add3A_86, %dma_start3A_150] : memref<160x128xi32, #tpu.memory_space<vmem>> -> memref<1x128xi32, #tpu.memory_space<vmem>>
          %dma_start3A_152 = tpu.memref_squeeze %dma_start3A_151 : memref<1x128xi32, #tpu.memory_space<vmem>> -> memref<128xi32, #tpu.memory_space<vmem>>
          %dma_start3A_153 = arith.constant 0 : i32
          %dma_start3A_154 = arith.constant 0 : i32
          %dma_start3A_155 = tpu.memref_slice %arg21[%dma_start3A_153, %dma_start3A_154] : memref<10240x64xf32, #tpu.memory_space<vmem_shared>> -> memref<10240x64xf32, #tpu.memory_space<vmem_shared>>
          tpu.enqueue_indirect_dma source(%arg14 : memref<128x64xf32, #tpu.memory_space<vmem>>) target(%dma_start3A_155 : memref<10240x64xf32, #tpu.memory_space<vmem_shared>>) offsets(%dma_start3A_152 : memref<128xi32, #tpu.memory_space<vmem>>) semaphore(%run_scoped3A : memref<!tpu.dma_semaphore, #tpu.memory_space<semaphore_mem>>) {add = true}
          %dma_wait3A_156 = arith.constant 0 : i32
          %dma_wait3A_157 = tpu.memref_slice %arg13[%add3A_86, %dma_wait3A_156] : memref<160x128xi32, #tpu.memory_space<vmem>> -> memref<1x128xi32, #tpu.memory_space<vmem>>
          %dma_wait3A_158 = tpu.memref_squeeze %dma_wait3A_157 : memref<1x128xi32, #tpu.memory_space<vmem>> -> memref<128xi32, #tpu.memory_space<vmem>>
          %dma_wait3A_159 = arith.constant 0 : i32
          %dma_wait3A_160 = arith.constant 0 : i32
          %dma_wait3A_161 = tpu.memref_slice %arg21[%dma_wait3A_159, %dma_wait3A_160] : memref<10240x64xf32, #tpu.memory_space<vmem_shared>> -> memref<10240x64xf32, #tpu.memory_space<vmem_shared>>
          tpu.wait_indirect_dma semaphore(%run_scoped3A : memref<!tpu.dma_semaphore, #tpu.memory_space<semaphore_mem>>) src(%arg14 : memref<128x64xf32, #tpu.memory_space<vmem>>) dst(%dma_wait3A_161 : memref<10240x64xf32, #tpu.memory_space<vmem_shared>>)
          tpu.yield
        }) : () -> ()
        "tpu.region"() ({
          %run_scoped3A = tpu.sem_alloc : memref<!tpu.dma_semaphore, #tpu.memory_space<semaphore_mem>>
          %dma_start3A_150 = arith.constant 0 : i32
          %dma_start3A_151 = tpu.memref_slice %arg13[%add3A_86, %dma_start3A_150] : memref<160x128xi32, #tpu.memory_space<vmem>> -> memref<1x128xi32, #tpu.memory_space<vmem>>
          %dma_start3A_152 = tpu.memref_squeeze %dma_start3A_151 : memref<1x128xi32, #tpu.memory_space<vmem>> -> memref<128xi32, #tpu.memory_space<vmem>>
          %dma_start3A_153 = arith.constant 0 : i32
          %dma_start3A_154 = arith.constant 0 : i32
          %dma_start3A_155 = tpu.memref_slice %arg22[%dma_start3A_153, %dma_start3A_154] : memref<10240x8xf32, #tpu.memory_space<vmem_shared>> -> memref<10240x8xf32, #tpu.memory_space<vmem_shared>>
          tpu.enqueue_indirect_dma source(%arg18 : memref<128x8xf32, #tpu.memory_space<vmem>>) target(%dma_start3A_155 : memref<10240x8xf32, #tpu.memory_space<vmem_shared>>) offsets(%dma_start3A_152 : memref<128xi32, #tpu.memory_space<vmem>>) semaphore(%run_scoped3A : memref<!tpu.dma_semaphore, #tpu.memory_space<semaphore_mem>>) {add = true}
          %dma_wait3A_156 = arith.constant 0 : i32
          %dma_wait3A_157 = tpu.memref_slice %arg13[%add3A_86, %dma_wait3A_156] : memref<160x128xi32, #tpu.memory_space<vmem>> -> memref<1x128xi32, #tpu.memory_space<vmem>>
          %dma_wait3A_158 = tpu.memref_squeeze %dma_wait3A_157 : memref<1x128xi32, #tpu.memory_space<vmem>> -> memref<128xi32, #tpu.memory_space<vmem>>
          %dma_wait3A_159 = arith.constant 0 : i32
          %dma_wait3A_160 = arith.constant 0 : i32
          %dma_wait3A_161 = tpu.memref_slice %arg22[%dma_wait3A_159, %dma_wait3A_160] : memref<10240x8xf32, #tpu.memory_space<vmem_shared>> -> memref<10240x8xf32, #tpu.memory_space<vmem_shared>>
          tpu.wait_indirect_dma semaphore(%run_scoped3A : memref<!tpu.dma_semaphore, #tpu.memory_space<semaphore_mem>>) src(%arg18 : memref<128x8xf32, #tpu.memory_space<vmem>>) dst(%dma_wait3A_161 : memref<10240x8xf32, #tpu.memory_space<vmem_shared>>)
          tpu.yield
        }) : () -> ()
        %dma_wait3A_87 = arith.constant 0 : i32
        %dma_wait3A_88 = arith.constant 0 : i32
        %dma_wait3A_89 = tpu.memref_slice %arg12[%dma_wait3A_87, %dma_wait3A_88] : memref<160x128xi32, #tpu.memory_space<vmem>> -> memref<1x128xi32, #tpu.memory_space<vmem>>
        %dma_wait3A_90 = tpu.memref_squeeze %dma_wait3A_89 : memref<1x128xi32, #tpu.memory_space<vmem>> -> memref<128xi32, #tpu.memory_space<vmem>>
        %dma_wait3A_91 = arith.constant 0 : i32
        %dma_wait3A_92 = arith.constant 0 : i32
        %dma_wait3A_93 = tpu.memref_slice %arg2[%dma_wait3A_91, %dma_wait3A_92] : memref<10000x64xf32, #tpu.memory_space<hbm>> -> memref<10000x64xf32, #tpu.memory_space<hbm>>
        tpu.wait_indirect_dma semaphore(%arg24 : memref<!tpu.dma_semaphore, #tpu.memory_space<semaphore_mem>>) src(%dma_wait3A_93 : memref<10000x64xf32, #tpu.memory_space<hbm>>) dst(%arg15 : memref<128x64xf32, #tpu.memory_space<vmem>>)
        %add3A_94 = arith.constant 1 : i32
        %add3A_95 = arith.addi %mul3A_66, %add3A_94 : i32
        %add3A_96 = arith.constant 3 : i32
        %add3A_97 = arith.addi %add3A_95, %add3A_96 : i32
        %min3A_98 = arith.constant 159 : i32
        %min3A_99 = arith.minsi %add3A_97, %min3A_98 : i32
        %dma_start3A_100 = arith.constant 0 : i32
        %dma_start3A_101 = tpu.memref_slice %arg12[%min3A_99, %dma_start3A_100] : memref<160x128xi32, #tpu.memory_space<vmem>> -> memref<1x128xi32, #tpu.memory_space<vmem>>
        %dma_start3A_102 = tpu.memref_squeeze %dma_start3A_101 : memref<1x128xi32, #tpu.memory_space<vmem>> -> memref<128xi32, #tpu.memory_space<vmem>>
        %dma_start3A_103 = arith.constant 0 : i32
        %dma_start3A_104 = arith.constant 0 : i32
        %dma_start3A_105 = tpu.memref_slice %arg2[%dma_start3A_103, %dma_start3A_104] : memref<10000x64xf32, #tpu.memory_space<hbm>> -> memref<10000x64xf32, #tpu.memory_space<hbm>>
        tpu.enqueue_indirect_dma source(%dma_start3A_105 : memref<10000x64xf32, #tpu.memory_space<hbm>>) target(%arg14 : memref<128x64xf32, #tpu.memory_space<vmem>>) offsets(%dma_start3A_102 : memref<128xi32, #tpu.memory_space<vmem>>) semaphore(%arg23 : memref<!tpu.dma_semaphore, #tpu.memory_space<semaphore_mem>>)
        %add3A_106 = arith.constant 1 : i32
        %add3A_107 = arith.addi %mul3A_66, %add3A_106 : i32
        "tpu.region"() ({
          %run_scoped3A = tpu.sem_alloc : memref<!tpu.dma_semaphore, #tpu.memory_space<semaphore_mem>>
          %dma_start3A_150 = arith.constant 0 : i32
          %dma_start3A_151 = tpu.memref_slice %arg13[%add3A_107, %dma_start3A_150] : memref<160x128xi32, #tpu.memory_space<vmem>> -> memref<1x128xi32, #tpu.memory_space<vmem>>
          %dma_start3A_152 = tpu.memref_squeeze %dma_start3A_151 : memref<1x128xi32, #tpu.memory_space<vmem>> -> memref<128xi32, #tpu.memory_space<vmem>>
          %dma_start3A_153 = arith.constant 0 : i32
          %dma_start3A_154 = arith.constant 0 : i32
          %dma_start3A_155 = tpu.memref_slice %arg21[%dma_start3A_153, %dma_start3A_154] : memref<10240x64xf32, #tpu.memory_space<vmem_shared>> -> memref<10240x64xf32, #tpu.memory_space<vmem_shared>>
          tpu.enqueue_indirect_dma source(%arg15 : memref<128x64xf32, #tpu.memory_space<vmem>>) target(%dma_start3A_155 : memref<10240x64xf32, #tpu.memory_space<vmem_shared>>) offsets(%dma_start3A_152 : memref<128xi32, #tpu.memory_space<vmem>>) semaphore(%run_scoped3A : memref<!tpu.dma_semaphore, #tpu.memory_space<semaphore_mem>>) {add = true}
          %dma_wait3A_156 = arith.constant 0 : i32
          %dma_wait3A_157 = tpu.memref_slice %arg13[%add3A_107, %dma_wait3A_156] : memref<160x128xi32, #tpu.memory_space<vmem>> -> memref<1x128xi32, #tpu.memory_space<vmem>>
          %dma_wait3A_158 = tpu.memref_squeeze %dma_wait3A_157 : memref<1x128xi32, #tpu.memory_space<vmem>> -> memref<128xi32, #tpu.memory_space<vmem>>
          %dma_wait3A_159 = arith.constant 0 : i32
          %dma_wait3A_160 = arith.constant 0 : i32
          %dma_wait3A_161 = tpu.memref_slice %arg21[%dma_wait3A_159, %dma_wait3A_160] : memref<10240x64xf32, #tpu.memory_space<vmem_shared>> -> memref<10240x64xf32, #tpu.memory_space<vmem_shared>>
          tpu.wait_indirect_dma semaphore(%run_scoped3A : memref<!tpu.dma_semaphore, #tpu.memory_space<semaphore_mem>>) src(%arg15 : memref<128x64xf32, #tpu.memory_space<vmem>>) dst(%dma_wait3A_161 : memref<10240x64xf32, #tpu.memory_space<vmem_shared>>)
          tpu.yield
        }) : () -> ()
        "tpu.region"() ({
          %run_scoped3A = tpu.sem_alloc : memref<!tpu.dma_semaphore, #tpu.memory_space<semaphore_mem>>
          %dma_start3A_150 = arith.constant 0 : i32
          %dma_start3A_151 = tpu.memref_slice %arg13[%add3A_107, %dma_start3A_150] : memref<160x128xi32, #tpu.memory_space<vmem>> -> memref<1x128xi32, #tpu.memory_space<vmem>>
          %dma_start3A_152 = tpu.memref_squeeze %dma_start3A_151 : memref<1x128xi32, #tpu.memory_space<vmem>> -> memref<128xi32, #tpu.memory_space<vmem>>
          %dma_start3A_153 = arith.constant 0 : i32
          %dma_start3A_154 = arith.constant 0 : i32
          %dma_start3A_155 = tpu.memref_slice %arg22[%dma_start3A_153, %dma_start3A_154] : memref<10240x8xf32, #tpu.memory_space<vmem_shared>> -> memref<10240x8xf32, #tpu.memory_space<vmem_shared>>
          tpu.enqueue_indirect_dma source(%arg18 : memref<128x8xf32, #tpu.memory_space<vmem>>) target(%dma_start3A_155 : memref<10240x8xf32, #tpu.memory_space<vmem_shared>>) offsets(%dma_start3A_152 : memref<128xi32, #tpu.memory_space<vmem>>) semaphore(%run_scoped3A : memref<!tpu.dma_semaphore, #tpu.memory_space<semaphore_mem>>) {add = true}
          %dma_wait3A_156 = arith.constant 0 : i32
          %dma_wait3A_157 = tpu.memref_slice %arg13[%add3A_107, %dma_wait3A_156] : memref<160x128xi32, #tpu.memory_space<vmem>> -> memref<1x128xi32, #tpu.memory_space<vmem>>
          %dma_wait3A_158 = tpu.memref_squeeze %dma_wait3A_157 : memref<1x128xi32, #tpu.memory_space<vmem>> -> memref<128xi32, #tpu.memory_space<vmem>>
          %dma_wait3A_159 = arith.constant 0 : i32
          %dma_wait3A_160 = arith.constant 0 : i32
          %dma_wait3A_161 = tpu.memref_slice %arg22[%dma_wait3A_159, %dma_wait3A_160] : memref<10240x8xf32, #tpu.memory_space<vmem_shared>> -> memref<10240x8xf32, #tpu.memory_space<vmem_shared>>
          tpu.wait_indirect_dma semaphore(%run_scoped3A : memref<!tpu.dma_semaphore, #tpu.memory_space<semaphore_mem>>) src(%arg18 : memref<128x8xf32, #tpu.memory_space<vmem>>) dst(%dma_wait3A_161 : memref<10240x8xf32, #tpu.memory_space<vmem_shared>>)
          tpu.yield
        }) : () -> ()
        %dma_wait3A_108 = arith.constant 0 : i32
        %dma_wait3A_109 = arith.constant 0 : i32
        %dma_wait3A_110 = tpu.memref_slice %arg12[%dma_wait3A_108, %dma_wait3A_109] : memref<160x128xi32, #tpu.memory_space<vmem>> -> memref<1x128xi32, #tpu.memory_space<vmem>>
        %dma_wait3A_111 = tpu.memref_squeeze %dma_wait3A_110 : memref<1x128xi32, #tpu.memory_space<vmem>> -> memref<128xi32, #tpu.memory_space<vmem>>
        %dma_wait3A_112 = arith.constant 0 : i32
        %dma_wait3A_113 = arith.constant 0 : i32
        %dma_wait3A_114 = tpu.memref_slice %arg2[%dma_wait3A_112, %dma_wait3A_113] : memref<10000x64xf32, #tpu.memory_space<hbm>> -> memref<10000x64xf32, #tpu.memory_space<hbm>>
        tpu.wait_indirect_dma semaphore(%arg25 : memref<!tpu.dma_semaphore, #tpu.memory_space<semaphore_mem>>) src(%dma_wait3A_114 : memref<10000x64xf32, #tpu.memory_space<hbm>>) dst(%arg16 : memref<128x64xf32, #tpu.memory_space<vmem>>)
        %add3A_115 = arith.constant 2 : i32
        %add3A_116 = arith.addi %mul3A_66, %add3A_115 : i32
        %add3A_117 = arith.constant 3 : i32
        %add3A_118 = arith.addi %add3A_116, %add3A_117 : i32
        %min3A_119 = arith.constant 159 : i32
        %min3A_120 = arith.minsi %add3A_118, %min3A_119 : i32
        %dma_start3A_121 = arith.constant 0 : i32
        %dma_start3A_122 = tpu.memref_slice %arg12[%min3A_120, %dma_start3A_121] : memref<160x128xi32, #tpu.memory_space<vmem>> -> memref<1x128xi32, #tpu.memory_space<vmem>>
        %dma_start3A_123 = tpu.memref_squeeze %dma_start3A_122 : memref<1x128xi32, #tpu.memory_space<vmem>> -> memref<128xi32, #tpu.memory_space<vmem>>
        %dma_start3A_124 = arith.constant 0 : i32
        %dma_start3A_125 = arith.constant 0 : i32
        %dma_start3A_126 = tpu.memref_slice %arg2[%dma_start3A_124, %dma_start3A_125] : memref<10000x64xf32, #tpu.memory_space<hbm>> -> memref<10000x64xf32, #tpu.memory_space<hbm>>
        tpu.enqueue_indirect_dma source(%dma_start3A_126 : memref<10000x64xf32, #tpu.memory_space<hbm>>) target(%arg15 : memref<128x64xf32, #tpu.memory_space<vmem>>) offsets(%dma_start3A_123 : memref<128xi32, #tpu.memory_space<vmem>>) semaphore(%arg24 : memref<!tpu.dma_semaphore, #tpu.memory_space<semaphore_mem>>)
        %add3A_127 = arith.constant 2 : i32
        %add3A_128 = arith.addi %mul3A_66, %add3A_127 : i32
        "tpu.region"() ({
          %run_scoped3A = tpu.sem_alloc : memref<!tpu.dma_semaphore, #tpu.memory_space<semaphore_mem>>
          %dma_start3A_150 = arith.constant 0 : i32
          %dma_start3A_151 = tpu.memref_slice %arg13[%add3A_128, %dma_start3A_150] : memref<160x128xi32, #tpu.memory_space<vmem>> -> memref<1x128xi32, #tpu.memory_space<vmem>>
          %dma_start3A_152 = tpu.memref_squeeze %dma_start3A_151 : memref<1x128xi32, #tpu.memory_space<vmem>> -> memref<128xi32, #tpu.memory_space<vmem>>
          %dma_start3A_153 = arith.constant 0 : i32
          %dma_start3A_154 = arith.constant 0 : i32
          %dma_start3A_155 = tpu.memref_slice %arg21[%dma_start3A_153, %dma_start3A_154] : memref<10240x64xf32, #tpu.memory_space<vmem_shared>> -> memref<10240x64xf32, #tpu.memory_space<vmem_shared>>
          tpu.enqueue_indirect_dma source(%arg16 : memref<128x64xf32, #tpu.memory_space<vmem>>) target(%dma_start3A_155 : memref<10240x64xf32, #tpu.memory_space<vmem_shared>>) offsets(%dma_start3A_152 : memref<128xi32, #tpu.memory_space<vmem>>) semaphore(%run_scoped3A : memref<!tpu.dma_semaphore, #tpu.memory_space<semaphore_mem>>) {add = true}
          %dma_wait3A_156 = arith.constant 0 : i32
          %dma_wait3A_157 = tpu.memref_slice %arg13[%add3A_128, %dma_wait3A_156] : memref<160x128xi32, #tpu.memory_space<vmem>> -> memref<1x128xi32, #tpu.memory_space<vmem>>
          %dma_wait3A_158 = tpu.memref_squeeze %dma_wait3A_157 : memref<1x128xi32, #tpu.memory_space<vmem>> -> memref<128xi32, #tpu.memory_space<vmem>>
          %dma_wait3A_159 = arith.constant 0 : i32
          %dma_wait3A_160 = arith.constant 0 : i32
          %dma_wait3A_161 = tpu.memref_slice %arg21[%dma_wait3A_159, %dma_wait3A_160] : memref<10240x64xf32, #tpu.memory_space<vmem_shared>> -> memref<10240x64xf32, #tpu.memory_space<vmem_shared>>
          tpu.wait_indirect_dma semaphore(%run_scoped3A : memref<!tpu.dma_semaphore, #tpu.memory_space<semaphore_mem>>) src(%arg16 : memref<128x64xf32, #tpu.memory_space<vmem>>) dst(%dma_wait3A_161 : memref<10240x64xf32, #tpu.memory_space<vmem_shared>>)
          tpu.yield
        }) : () -> ()
        "tpu.region"() ({
          %run_scoped3A = tpu.sem_alloc : memref<!tpu.dma_semaphore, #tpu.memory_space<semaphore_mem>>
          %dma_start3A_150 = arith.constant 0 : i32
          %dma_start3A_151 = tpu.memref_slice %arg13[%add3A_128, %dma_start3A_150] : memref<160x128xi32, #tpu.memory_space<vmem>> -> memref<1x128xi32, #tpu.memory_space<vmem>>
          %dma_start3A_152 = tpu.memref_squeeze %dma_start3A_151 : memref<1x128xi32, #tpu.memory_space<vmem>> -> memref<128xi32, #tpu.memory_space<vmem>>
          %dma_start3A_153 = arith.constant 0 : i32
          %dma_start3A_154 = arith.constant 0 : i32
          %dma_start3A_155 = tpu.memref_slice %arg22[%dma_start3A_153, %dma_start3A_154] : memref<10240x8xf32, #tpu.memory_space<vmem_shared>> -> memref<10240x8xf32, #tpu.memory_space<vmem_shared>>
          tpu.enqueue_indirect_dma source(%arg18 : memref<128x8xf32, #tpu.memory_space<vmem>>) target(%dma_start3A_155 : memref<10240x8xf32, #tpu.memory_space<vmem_shared>>) offsets(%dma_start3A_152 : memref<128xi32, #tpu.memory_space<vmem>>) semaphore(%run_scoped3A : memref<!tpu.dma_semaphore, #tpu.memory_space<semaphore_mem>>) {add = true}
          %dma_wait3A_156 = arith.constant 0 : i32
          %dma_wait3A_157 = tpu.memref_slice %arg13[%add3A_128, %dma_wait3A_156] : memref<160x128xi32, #tpu.memory_space<vmem>> -> memref<1x128xi32, #tpu.memory_space<vmem>>
          %dma_wait3A_158 = tpu.memref_squeeze %dma_wait3A_157 : memref<1x128xi32, #tpu.memory_space<vmem>> -> memref<128xi32, #tpu.memory_space<vmem>>
          %dma_wait3A_159 = arith.constant 0 : i32
          %dma_wait3A_160 = arith.constant 0 : i32
          %dma_wait3A_161 = tpu.memref_slice %arg22[%dma_wait3A_159, %dma_wait3A_160] : memref<10240x8xf32, #tpu.memory_space<vmem_shared>> -> memref<10240x8xf32, #tpu.memory_space<vmem_shared>>
          tpu.wait_indirect_dma semaphore(%run_scoped3A : memref<!tpu.dma_semaphore, #tpu.memory_space<semaphore_mem>>) src(%arg18 : memref<128x8xf32, #tpu.memory_space<vmem>>) dst(%dma_wait3A_161 : memref<10240x8xf32, #tpu.memory_space<vmem_shared>>)
          tpu.yield
        }) : () -> ()
        %dma_wait3A_129 = arith.constant 0 : i32
        %dma_wait3A_130 = arith.constant 0 : i32
        %dma_wait3A_131 = tpu.memref_slice %arg12[%dma_wait3A_129, %dma_wait3A_130] : memref<160x128xi32, #tpu.memory_space<vmem>> -> memref<1x128xi32, #tpu.memory_space<vmem>>
        %dma_wait3A_132 = tpu.memref_squeeze %dma_wait3A_131 : memref<1x128xi32, #tpu.memory_space<vmem>> -> memref<128xi32, #tpu.memory_space<vmem>>
        %dma_wait3A_133 = arith.constant 0 : i32
        %dma_wait3A_134 = arith.constant 0 : i32
        %dma_wait3A_135 = tpu.memref_slice %arg2[%dma_wait3A_133, %dma_wait3A_134] : memref<10000x64xf32, #tpu.memory_space<hbm>> -> memref<10000x64xf32, #tpu.memory_space<hbm>>
        tpu.wait_indirect_dma semaphore(%arg26 : memref<!tpu.dma_semaphore, #tpu.memory_space<semaphore_mem>>) src(%dma_wait3A_135 : memref<10000x64xf32, #tpu.memory_space<hbm>>) dst(%arg17 : memref<128x64xf32, #tpu.memory_space<vmem>>)
        %add3A_136 = arith.constant 3 : i32
        %add3A_137 = arith.addi %mul3A_66, %add3A_136 : i32
        %add3A_138 = arith.constant 3 : i32
        %add3A_139 = arith.addi %add3A_137, %add3A_138 : i32
        %min3A_140 = arith.constant 159 : i32
        %min3A_141 = arith.minsi %add3A_139, %min3A_140 : i32
        %dma_start3A_142 = arith.constant 0 : i32
        %dma_start3A_143 = tpu.memref_slice %arg12[%min3A_141, %dma_start3A_142] : memref<160x128xi32, #tpu.memory_space<vmem>> -> memref<1x128xi32, #tpu.memory_space<vmem>>
        %dma_start3A_144 = tpu.memref_squeeze %dma_start3A_143 : memref<1x128xi32, #tpu.memory_space<vmem>> -> memref<128xi32, #tpu.memory_space<vmem>>
        %dma_start3A_145 = arith.constant 0 : i32
        %dma_start3A_146 = arith.constant 0 : i32
        %dma_start3A_147 = tpu.memref_slice %arg2[%dma_start3A_145, %dma_start3A_146] : memref<10000x64xf32, #tpu.memory_space<hbm>> -> memref<10000x64xf32, #tpu.memory_space<hbm>>
        tpu.enqueue_indirect_dma source(%dma_start3A_147 : memref<10000x64xf32, #tpu.memory_space<hbm>>) target(%arg16 : memref<128x64xf32, #tpu.memory_space<vmem>>) offsets(%dma_start3A_144 : memref<128xi32, #tpu.memory_space<vmem>>) semaphore(%arg25 : memref<!tpu.dma_semaphore, #tpu.memory_space<semaphore_mem>>)
        %add3A_148 = arith.constant 3 : i32
        %add3A_149 = arith.addi %mul3A_66, %add3A_148 : i32
        "tpu.region"() ({
          %run_scoped3A = tpu.sem_alloc : memref<!tpu.dma_semaphore, #tpu.memory_space<semaphore_mem>>
          %dma_start3A_150 = arith.constant 0 : i32
          %dma_start3A_151 = tpu.memref_slice %arg13[%add3A_149, %dma_start3A_150] : memref<160x128xi32, #tpu.memory_space<vmem>> -> memref<1x128xi32, #tpu.memory_space<vmem>>
          %dma_start3A_152 = tpu.memref_squeeze %dma_start3A_151 : memref<1x128xi32, #tpu.memory_space<vmem>> -> memref<128xi32, #tpu.memory_space<vmem>>
          %dma_start3A_153 = arith.constant 0 : i32
          %dma_start3A_154 = arith.constant 0 : i32
          %dma_start3A_155 = tpu.memref_slice %arg21[%dma_start3A_153, %dma_start3A_154] : memref<10240x64xf32, #tpu.memory_space<vmem_shared>> -> memref<10240x64xf32, #tpu.memory_space<vmem_shared>>
          tpu.enqueue_indirect_dma source(%arg17 : memref<128x64xf32, #tpu.memory_space<vmem>>) target(%dma_start3A_155 : memref<10240x64xf32, #tpu.memory_space<vmem_shared>>) offsets(%dma_start3A_152 : memref<128xi32, #tpu.memory_space<vmem>>) semaphore(%run_scoped3A : memref<!tpu.dma_semaphore, #tpu.memory_space<semaphore_mem>>) {add = true}
          %dma_wait3A_156 = arith.constant 0 : i32
          %dma_wait3A_157 = tpu.memref_slice %arg13[%add3A_149, %dma_wait3A_156] : memref<160x128xi32, #tpu.memory_space<vmem>> -> memref<1x128xi32, #tpu.memory_space<vmem>>
          %dma_wait3A_158 = tpu.memref_squeeze %dma_wait3A_157 : memref<1x128xi32, #tpu.memory_space<vmem>> -> memref<128xi32, #tpu.memory_space<vmem>>
          %dma_wait3A_159 = arith.constant 0 : i32
          %dma_wait3A_160 = arith.constant 0 : i32
          %dma_wait3A_161 = tpu.memref_slice %arg21[%dma_wait3A_159, %dma_wait3A_160] : memref<10240x64xf32, #tpu.memory_space<vmem_shared>> -> memref<10240x64xf32, #tpu.memory_space<vmem_shared>>
          tpu.wait_indirect_dma semaphore(%run_scoped3A : memref<!tpu.dma_semaphore, #tpu.memory_space<semaphore_mem>>) src(%arg17 : memref<128x64xf32, #tpu.memory_space<vmem>>) dst(%dma_wait3A_161 : memref<10240x64xf32, #tpu.memory_space<vmem_shared>>)
          tpu.yield
        }) : () -> ()
        "tpu.region"() ({
          %run_scoped3A = tpu.sem_alloc : memref<!tpu.dma_semaphore, #tpu.memory_space<semaphore_mem>>
          %dma_start3A_150 = arith.constant 0 : i32
          %dma_start3A_151 = tpu.memref_slice %arg13[%add3A_149, %dma_start3A_150] : memref<160x128xi32, #tpu.memory_space<vmem>> -> memref<1x128xi32, #tpu.memory_space<vmem>>
          %dma_start3A_152 = tpu.memref_squeeze %dma_start3A_151 : memref<1x128xi32, #tpu.memory_space<vmem>> -> memref<128xi32, #tpu.memory_space<vmem>>
          %dma_start3A_153 = arith.constant 0 : i32
          %dma_start3A_154 = arith.constant 0 : i32
          %dma_start3A_155 = tpu.memref_slice %arg22[%dma_start3A_153, %dma_start3A_154] : memref<10240x8xf32, #tpu.memory_space<vmem_shared>> -> memref<10240x8xf32, #tpu.memory_space<vmem_shared>>
          tpu.enqueue_indirect_dma source(%arg18 : memref<128x8xf32, #tpu.memory_space<vmem>>) target(%dma_start3A_155 : memref<10240x8xf32, #tpu.memory_space<vmem_shared>>) offsets(%dma_start3A_152 : memref<128xi32, #tpu.memory_space<vmem>>) semaphore(%run_scoped3A : memref<!tpu.dma_semaphore, #tpu.memory_space<semaphore_mem>>) {add = true}
          %dma_wait3A_156 = arith.constant 0 : i32
          %dma_wait3A_157 = tpu.memref_slice %arg13[%add3A_149, %dma_wait3A_156] : memref<160x128xi32, #tpu.memory_space<vmem>> -> memref<1x128xi32, #tpu.memory_space<vmem>>
          %dma_wait3A_158 = tpu.memref_squeeze %dma_wait3A_157 : memref<1x128xi32, #tpu.memory_space<vmem>> -> memref<128xi32, #tpu.memory_space<vmem>>
          %dma_wait3A_159 = arith.constant 0 : i32
          %dma_wait3A_160 = arith.constant 0 : i32
          %dma_wait3A_161 = tpu.memref_slice %arg22[%dma_wait3A_159, %dma_wait3A_160] : memref<10240x8xf32, #tpu.memory_space<vmem_shared>> -> memref<10240x8xf32, #tpu.memory_space<vmem_shared>>
          tpu.wait_indirect_dma semaphore(%run_scoped3A : memref<!tpu.dma_semaphore, #tpu.memory_space<semaphore_mem>>) src(%arg18 : memref<128x8xf32, #tpu.memory_space<vmem>>) dst(%dma_wait3A_161 : memref<10240x8xf32, #tpu.memory_space<vmem_shared>>)
          tpu.yield
        }) : () -> ()
      }
      %scan3A_43 = arith.constant 40 : i32
      %dma_wait3A = arith.constant 0 : i32
      %dma_wait3A_44 = arith.constant 0 : i32
      %dma_wait3A_45 = tpu.memref_slice %arg12[%dma_wait3A, %dma_wait3A_44] : memref<160x128xi32, #tpu.memory_space<vmem>> -> memref<1x128xi32, #tpu.memory_space<vmem>>
      %dma_wait3A_46 = tpu.memref_squeeze %dma_wait3A_45 : memref<1x128xi32, #tpu.memory_space<vmem>> -> memref<128xi32, #tpu.memory_space<vmem>>
      %dma_wait3A_47 = arith.constant 0 : i32
      %dma_wait3A_48 = arith.constant 0 : i32
      %dma_wait3A_49 = tpu.memref_slice %arg2[%dma_wait3A_47, %dma_wait3A_48] : memref<10000x64xf32, #tpu.memory_space<hbm>> -> memref<10000x64xf32, #tpu.memory_space<hbm>>
      tpu.wait_indirect_dma semaphore(%arg23 : memref<!tpu.dma_semaphore, #tpu.memory_space<semaphore_mem>>) src(%dma_wait3A_49 : memref<10000x64xf32, #tpu.memory_space<hbm>>) dst(%arg14 : memref<128x64xf32, #tpu.memory_space<vmem>>)
      %dma_wait3A_50 = arith.constant 0 : i32
      %dma_wait3A_51 = arith.constant 0 : i32
      %dma_wait3A_52 = tpu.memref_slice %arg12[%dma_wait3A_50, %dma_wait3A_51] : memref<160x128xi32, #tpu.memory_space<vmem>> -> memref<1x128xi32, #tpu.memory_space<vmem>>
      %dma_wait3A_53 = tpu.memref_squeeze %dma_wait3A_52 : memref<1x128xi32, #tpu.memory_space<vmem>> -> memref<128xi32, #tpu.memory_space<vmem>>
      %dma_wait3A_54 = arith.constant 0 : i32
      %dma_wait3A_55 = arith.constant 0 : i32
      %dma_wait3A_56 = tpu.memref_slice %arg2[%dma_wait3A_54, %dma_wait3A_55] : memref<10000x64xf32, #tpu.memory_space<hbm>> -> memref<10000x64xf32, #tpu.memory_space<hbm>>
      tpu.wait_indirect_dma semaphore(%arg24 : memref<!tpu.dma_semaphore, #tpu.memory_space<semaphore_mem>>) src(%dma_wait3A_56 : memref<10000x64xf32, #tpu.memory_space<hbm>>) dst(%arg15 : memref<128x64xf32, #tpu.memory_space<vmem>>)
      %dma_wait3A_57 = arith.constant 0 : i32
      %dma_wait3A_58 = arith.constant 0 : i32
      %dma_wait3A_59 = tpu.memref_slice %arg12[%dma_wait3A_57, %dma_wait3A_58] : memref<160x128xi32, #tpu.memory_space<vmem>> -> memref<1x128xi32, #tpu.memory_space<vmem>>
      %dma_wait3A_60 = tpu.memref_squeeze %dma_wait3A_59 : memref<1x128xi32, #tpu.memory_space<vmem>> -> memref<128xi32, #tpu.memory_space<vmem>>
      %dma_wait3A_61 = arith.constant 0 : i32
      %dma_wait3A_62 = arith.constant 0 : i32
      %dma_wait3A_63 = tpu.memref_slice %arg2[%dma_wait3A_61, %dma_wait3A_62] : memref<10000x64xf32, #tpu.memory_space<hbm>> -> memref<10000x64xf32, #tpu.memory_space<hbm>>
      tpu.wait_indirect_dma semaphore(%arg25 : memref<!tpu.dma_semaphore, #tpu.memory_space<semaphore_mem>>) src(%dma_wait3A_63 : memref<10000x64xf32, #tpu.memory_space<hbm>>) dst(%arg16 : memref<128x64xf32, #tpu.memory_space<vmem>>)
    } else {
    }
    %eq3A_3 = arith.constant 1 : i32
    %eq3A_4 = arith.cmpi eq, %arg0, %eq3A_3 : i32
    %convert_element_type3A_5 = arith.extui %eq3A_4 : i1 to i32
    %cond3A_6 = arith.constant 0 : i32
    %cond3A_7 = arith.cmpi ne, %convert_element_type3A_5, %cond3A_6 : i32
    scf.if %cond3A_7 {
      %min3A = arith.constant 0 : i32
      %min3A_14 = arith.constant 159 : i32
      %min3A_15 = arith.minsi %min3A, %min3A_14 : i32
      %dma_start3A = arith.constant 0 : i32
      %dma_start3A_16 = tpu.memref_slice %arg12[%min3A_15, %dma_start3A] : memref<160x128xi32, #tpu.memory_space<vmem>> -> memref<1x128xi32, #tpu.memory_space<vmem>>
      %dma_start3A_17 = tpu.memref_squeeze %dma_start3A_16 : memref<1x128xi32, #tpu.memory_space<vmem>> -> memref<128xi32, #tpu.memory_space<vmem>>
      %dma_start3A_18 = arith.constant 0 : i32
      %dma_start3A_19 = arith.constant 0 : i32
      %dma_start3A_20 = tpu.memref_slice %arg3[%dma_start3A_18, %dma_start3A_19] : memref<10000x64xf32, #tpu.memory_space<hbm>> -> memref<10000x64xf32, #tpu.memory_space<hbm>>
      tpu.enqueue_indirect_dma source(%dma_start3A_20 : memref<10000x64xf32, #tpu.memory_space<hbm>>) target(%arg14 : memref<128x64xf32, #tpu.memory_space<vmem>>) offsets(%dma_start3A_17 : memref<128xi32, #tpu.memory_space<vmem>>) semaphore(%arg23 : memref<!tpu.dma_semaphore, #tpu.memory_space<semaphore_mem>>)
      %min3A_21 = arith.constant 1 : i32
      %min3A_22 = arith.constant 159 : i32
      %min3A_23 = arith.minsi %min3A_21, %min3A_22 : i32
      %dma_start3A_24 = arith.constant 0 : i32
      %dma_start3A_25 = tpu.memref_slice %arg12[%min3A_23, %dma_start3A_24] : memref<160x128xi32, #tpu.memory_space<vmem>> -> memref<1x128xi32, #tpu.memory_space<vmem>>
      %dma_start3A_26 = tpu.memref_squeeze %dma_start3A_25 : memref<1x128xi32, #tpu.memory_space<vmem>> -> memref<128xi32, #tpu.memory_space<vmem>>
      %dma_start3A_27 = arith.constant 0 : i32
      %dma_start3A_28 = arith.constant 0 : i32
      %dma_start3A_29 = tpu.memref_slice %arg3[%dma_start3A_27, %dma_start3A_28] : memref<10000x64xf32, #tpu.memory_space<hbm>> -> memref<10000x64xf32, #tpu.memory_space<hbm>>
      tpu.enqueue_indirect_dma source(%dma_start3A_29 : memref<10000x64xf32, #tpu.memory_space<hbm>>) target(%arg15 : memref<128x64xf32, #tpu.memory_space<vmem>>) offsets(%dma_start3A_26 : memref<128xi32, #tpu.memory_space<vmem>>) semaphore(%arg24 : memref<!tpu.dma_semaphore, #tpu.memory_space<semaphore_mem>>)
      %min3A_30 = arith.constant 2 : i32
      %min3A_31 = arith.constant 159 : i32
      %min3A_32 = arith.minsi %min3A_30, %min3A_31 : i32
      %dma_start3A_33 = arith.constant 0 : i32
      %dma_start3A_34 = tpu.memref_slice %arg12[%min3A_32, %dma_start3A_33] : memref<160x128xi32, #tpu.memory_space<vmem>> -> memref<1x128xi32, #tpu.memory_space<vmem>>
      %dma_start3A_35 = tpu.memref_squeeze %dma_start3A_34 : memref<1x128xi32, #tpu.memory_space<vmem>> -> memref<128xi32, #tpu.memory_space<vmem>>
      %dma_start3A_36 = arith.constant 0 : i32
      %dma_start3A_37 = arith.constant 0 : i32
      %dma_start3A_38 = tpu.memref_slice %arg3[%dma_start3A_36, %dma_start3A_37] : memref<10000x64xf32, #tpu.memory_space<hbm>> -> memref<10000x64xf32, #tpu.memory_space<hbm>>
      tpu.enqueue_indirect_dma source(%dma_start3A_38 : memref<10000x64xf32, #tpu.memory_space<hbm>>) target(%arg16 : memref<128x64xf32, #tpu.memory_space<vmem>>) offsets(%dma_start3A_35 : memref<128xi32, #tpu.memory_space<vmem>>) semaphore(%arg25 : memref<!tpu.dma_semaphore, #tpu.memory_space<semaphore_mem>>)
      %scan3A = arith.constant 0 : i32
      %scan3A_39 = arith.constant 0 : i32
      %scan3A_40 = arith.constant 40 : i32
      %scan3A_41 = arith.addi %scan3A_39, %scan3A_40 : i32
      %scan3A_42 = arith.constant 1 : i32
      scf.for %scan3A_64 = %scan3A_39 to %scan3A_41 step %scan3A_42  : i32 {
        %mul3A_65 = arith.constant 4 : i32
        %mul3A_66 = arith.muli %mul3A_65, %scan3A_64 : i32
        %dma_wait3A_67 = arith.constant 0 : i32
        %dma_wait3A_68 = arith.constant 0 : i32
        %dma_wait3A_69 = tpu.memref_slice %arg12[%dma_wait3A_67, %dma_wait3A_68] : memref<160x128xi32, #tpu.memory_space<vmem>> -> memref<1x128xi32, #tpu.memory_space<vmem>>
        %dma_wait3A_70 = tpu.memref_squeeze %dma_wait3A_69 : memref<1x128xi32, #tpu.memory_space<vmem>> -> memref<128xi32, #tpu.memory_space<vmem>>
        %dma_wait3A_71 = arith.constant 0 : i32
        %dma_wait3A_72 = arith.constant 0 : i32
        %dma_wait3A_73 = tpu.memref_slice %arg3[%dma_wait3A_71, %dma_wait3A_72] : memref<10000x64xf32, #tpu.memory_space<hbm>> -> memref<10000x64xf32, #tpu.memory_space<hbm>>
        tpu.wait_indirect_dma semaphore(%arg23 : memref<!tpu.dma_semaphore, #tpu.memory_space<semaphore_mem>>) src(%dma_wait3A_73 : memref<10000x64xf32, #tpu.memory_space<hbm>>) dst(%arg14 : memref<128x64xf32, #tpu.memory_space<vmem>>)
        %add3A = arith.constant 0 : i32
        %add3A_74 = arith.addi %mul3A_66, %add3A : i32
        %add3A_75 = arith.constant 3 : i32
        %add3A_76 = arith.addi %add3A_74, %add3A_75 : i32
        %min3A_77 = arith.constant 159 : i32
        %min3A_78 = arith.minsi %add3A_76, %min3A_77 : i32
        %dma_start3A_79 = arith.constant 0 : i32
        %dma_start3A_80 = tpu.memref_slice %arg12[%min3A_78, %dma_start3A_79] : memref<160x128xi32, #tpu.memory_space<vmem>> -> memref<1x128xi32, #tpu.memory_space<vmem>>
        %dma_start3A_81 = tpu.memref_squeeze %dma_start3A_80 : memref<1x128xi32, #tpu.memory_space<vmem>> -> memref<128xi32, #tpu.memory_space<vmem>>
        %dma_start3A_82 = arith.constant 0 : i32
        %dma_start3A_83 = arith.constant 0 : i32
        %dma_start3A_84 = tpu.memref_slice %arg3[%dma_start3A_82, %dma_start3A_83] : memref<10000x64xf32, #tpu.memory_space<hbm>> -> memref<10000x64xf32, #tpu.memory_space<hbm>>
        tpu.enqueue_indirect_dma source(%dma_start3A_84 : memref<10000x64xf32, #tpu.memory_space<hbm>>) target(%arg17 : memref<128x64xf32, #tpu.memory_space<vmem>>) offsets(%dma_start3A_81 : memref<128xi32, #tpu.memory_space<vmem>>) semaphore(%arg26 : memref<!tpu.dma_semaphore, #tpu.memory_space<semaphore_mem>>)
        %add3A_85 = arith.constant 0 : i32
        %add3A_86 = arith.addi %mul3A_66, %add3A_85 : i32
        "tpu.region"() ({
          %run_scoped3A = tpu.sem_alloc : memref<!tpu.dma_semaphore, #tpu.memory_space<semaphore_mem>>
          %dma_start3A_150 = arith.constant 0 : i32
          %dma_start3A_151 = tpu.memref_slice %arg13[%add3A_86, %dma_start3A_150] : memref<160x128xi32, #tpu.memory_space<vmem>> -> memref<1x128xi32, #tpu.memory_space<vmem>>
          %dma_start3A_152 = tpu.memref_squeeze %dma_start3A_151 : memref<1x128xi32, #tpu.memory_space<vmem>> -> memref<128xi32, #tpu.memory_space<vmem>>
          %dma_start3A_153 = arith.constant 0 : i32
          %dma_start3A_154 = arith.constant 0 : i32
          %dma_start3A_155 = tpu.memref_slice %arg21[%dma_start3A_153, %dma_start3A_154] : memref<10240x64xf32, #tpu.memory_space<vmem_shared>> -> memref<10240x64xf32, #tpu.memory_space<vmem_shared>>
          tpu.enqueue_indirect_dma source(%arg14 : memref<128x64xf32, #tpu.memory_space<vmem>>) target(%dma_start3A_155 : memref<10240x64xf32, #tpu.memory_space<vmem_shared>>) offsets(%dma_start3A_152 : memref<128xi32, #tpu.memory_space<vmem>>) semaphore(%run_scoped3A : memref<!tpu.dma_semaphore, #tpu.memory_space<semaphore_mem>>) {add = true}
          %dma_wait3A_156 = arith.constant 0 : i32
          %dma_wait3A_157 = tpu.memref_slice %arg13[%add3A_86, %dma_wait3A_156] : memref<160x128xi32, #tpu.memory_space<vmem>> -> memref<1x128xi32, #tpu.memory_space<vmem>>
          %dma_wait3A_158 = tpu.memref_squeeze %dma_wait3A_157 : memref<1x128xi32, #tpu.memory_space<vmem>> -> memref<128xi32, #tpu.memory_space<vmem>>
          %dma_wait3A_159 = arith.constant 0 : i32
          %dma_wait3A_160 = arith.constant 0 : i32
          %dma_wait3A_161 = tpu.memref_slice %arg21[%dma_wait3A_159, %dma_wait3A_160] : memref<10240x64xf32, #tpu.memory_space<vmem_shared>> -> memref<10240x64xf32, #tpu.memory_space<vmem_shared>>
          tpu.wait_indirect_dma semaphore(%run_scoped3A : memref<!tpu.dma_semaphore, #tpu.memory_space<semaphore_mem>>) src(%arg14 : memref<128x64xf32, #tpu.memory_space<vmem>>) dst(%dma_wait3A_161 : memref<10240x64xf32, #tpu.memory_space<vmem_shared>>)
          tpu.yield
        }) : () -> ()
        %dma_wait3A_87 = arith.constant 0 : i32
        %dma_wait3A_88 = arith.constant 0 : i32
        %dma_wait3A_89 = tpu.memref_slice %arg12[%dma_wait3A_87, %dma_wait3A_88] : memref<160x128xi32, #tpu.memory_space<vmem>> -> memref<1x128xi32, #tpu.memory_space<vmem>>
        %dma_wait3A_90 = tpu.memref_squeeze %dma_wait3A_89 : memref<1x128xi32, #tpu.memory_space<vmem>> -> memref<128xi32, #tpu.memory_space<vmem>>
        %dma_wait3A_91 = arith.constant 0 : i32
        %dma_wait3A_92 = arith.constant 0 : i32
        %dma_wait3A_93 = tpu.memref_slice %arg3[%dma_wait3A_91, %dma_wait3A_92] : memref<10000x64xf32, #tpu.memory_space<hbm>> -> memref<10000x64xf32, #tpu.memory_space<hbm>>
        tpu.wait_indirect_dma semaphore(%arg24 : memref<!tpu.dma_semaphore, #tpu.memory_space<semaphore_mem>>) src(%dma_wait3A_93 : memref<10000x64xf32, #tpu.memory_space<hbm>>) dst(%arg15 : memref<128x64xf32, #tpu.memory_space<vmem>>)
        %add3A_94 = arith.constant 1 : i32
        %add3A_95 = arith.addi %mul3A_66, %add3A_94 : i32
        %add3A_96 = arith.constant 3 : i32
        %add3A_97 = arith.addi %add3A_95, %add3A_96 : i32
        %min3A_98 = arith.constant 159 : i32
        %min3A_99 = arith.minsi %add3A_97, %min3A_98 : i32
        %dma_start3A_100 = arith.constant 0 : i32
        %dma_start3A_101 = tpu.memref_slice %arg12[%min3A_99, %dma_start3A_100] : memref<160x128xi32, #tpu.memory_space<vmem>> -> memref<1x128xi32, #tpu.memory_space<vmem>>
        %dma_start3A_102 = tpu.memref_squeeze %dma_start3A_101 : memref<1x128xi32, #tpu.memory_space<vmem>> -> memref<128xi32, #tpu.memory_space<vmem>>
        %dma_start3A_103 = arith.constant 0 : i32
        %dma_start3A_104 = arith.constant 0 : i32
        %dma_start3A_105 = tpu.memref_slice %arg3[%dma_start3A_103, %dma_start3A_104] : memref<10000x64xf32, #tpu.memory_space<hbm>> -> memref<10000x64xf32, #tpu.memory_space<hbm>>
        tpu.enqueue_indirect_dma source(%dma_start3A_105 : memref<10000x64xf32, #tpu.memory_space<hbm>>) target(%arg14 : memref<128x64xf32, #tpu.memory_space<vmem>>) offsets(%dma_start3A_102 : memref<128xi32, #tpu.memory_space<vmem>>) semaphore(%arg23 : memref<!tpu.dma_semaphore, #tpu.memory_space<semaphore_mem>>)
        %add3A_106 = arith.constant 1 : i32
        %add3A_107 = arith.addi %mul3A_66, %add3A_106 : i32
        "tpu.region"() ({
          %run_scoped3A = tpu.sem_alloc : memref<!tpu.dma_semaphore, #tpu.memory_space<semaphore_mem>>
          %dma_start3A_150 = arith.constant 0 : i32
          %dma_start3A_151 = tpu.memref_slice %arg13[%add3A_107, %dma_start3A_150] : memref<160x128xi32, #tpu.memory_space<vmem>> -> memref<1x128xi32, #tpu.memory_space<vmem>>
          %dma_start3A_152 = tpu.memref_squeeze %dma_start3A_151 : memref<1x128xi32, #tpu.memory_space<vmem>> -> memref<128xi32, #tpu.memory_space<vmem>>
          %dma_start3A_153 = arith.constant 0 : i32
          %dma_start3A_154 = arith.constant 0 : i32
          %dma_start3A_155 = tpu.memref_slice %arg21[%dma_start3A_153, %dma_start3A_154] : memref<10240x64xf32, #tpu.memory_space<vmem_shared>> -> memref<10240x64xf32, #tpu.memory_space<vmem_shared>>
          tpu.enqueue_indirect_dma source(%arg15 : memref<128x64xf32, #tpu.memory_space<vmem>>) target(%dma_start3A_155 : memref<10240x64xf32, #tpu.memory_space<vmem_shared>>) offsets(%dma_start3A_152 : memref<128xi32, #tpu.memory_space<vmem>>) semaphore(%run_scoped3A : memref<!tpu.dma_semaphore, #tpu.memory_space<semaphore_mem>>) {add = true}
          %dma_wait3A_156 = arith.constant 0 : i32
          %dma_wait3A_157 = tpu.memref_slice %arg13[%add3A_107, %dma_wait3A_156] : memref<160x128xi32, #tpu.memory_space<vmem>> -> memref<1x128xi32, #tpu.memory_space<vmem>>
          %dma_wait3A_158 = tpu.memref_squeeze %dma_wait3A_157 : memref<1x128xi32, #tpu.memory_space<vmem>> -> memref<128xi32, #tpu.memory_space<vmem>>
          %dma_wait3A_159 = arith.constant 0 : i32
          %dma_wait3A_160 = arith.constant 0 : i32
          %dma_wait3A_161 = tpu.memref_slice %arg21[%dma_wait3A_159, %dma_wait3A_160] : memref<10240x64xf32, #tpu.memory_space<vmem_shared>> -> memref<10240x64xf32, #tpu.memory_space<vmem_shared>>
          tpu.wait_indirect_dma semaphore(%run_scoped3A : memref<!tpu.dma_semaphore, #tpu.memory_space<semaphore_mem>>) src(%arg15 : memref<128x64xf32, #tpu.memory_space<vmem>>) dst(%dma_wait3A_161 : memref<10240x64xf32, #tpu.memory_space<vmem_shared>>)
          tpu.yield
        }) : () -> ()
        %dma_wait3A_108 = arith.constant 0 : i32
        %dma_wait3A_109 = arith.constant 0 : i32
        %dma_wait3A_110 = tpu.memref_slice %arg12[%dma_wait3A_108, %dma_wait3A_109] : memref<160x128xi32, #tpu.memory_space<vmem>> -> memref<1x128xi32, #tpu.memory_space<vmem>>
        %dma_wait3A_111 = tpu.memref_squeeze %dma_wait3A_110 : memref<1x128xi32, #tpu.memory_space<vmem>> -> memref<128xi32, #tpu.memory_space<vmem>>
        %dma_wait3A_112 = arith.constant 0 : i32
        %dma_wait3A_113 = arith.constant 0 : i32
        %dma_wait3A_114 = tpu.memref_slice %arg3[%dma_wait3A_112, %dma_wait3A_113] : memref<10000x64xf32, #tpu.memory_space<hbm>> -> memref<10000x64xf32, #tpu.memory_space<hbm>>
        tpu.wait_indirect_dma semaphore(%arg25 : memref<!tpu.dma_semaphore, #tpu.memory_space<semaphore_mem>>) src(%dma_wait3A_114 : memref<10000x64xf32, #tpu.memory_space<hbm>>) dst(%arg16 : memref<128x64xf32, #tpu.memory_space<vmem>>)
        %add3A_115 = arith.constant 2 : i32
        %add3A_116 = arith.addi %mul3A_66, %add3A_115 : i32
        %add3A_117 = arith.constant 3 : i32
        %add3A_118 = arith.addi %add3A_116, %add3A_117 : i32
        %min3A_119 = arith.constant 159 : i32
        %min3A_120 = arith.minsi %add3A_118, %min3A_119 : i32
        %dma_start3A_121 = arith.constant 0 : i32
        %dma_start3A_122 = tpu.memref_slice %arg12[%min3A_120, %dma_start3A_121] : memref<160x128xi32, #tpu.memory_space<vmem>> -> memref<1x128xi32, #tpu.memory_space<vmem>>
        %dma_start3A_123 = tpu.memref_squeeze %dma_start3A_122 : memref<1x128xi32, #tpu.memory_space<vmem>> -> memref<128xi32, #tpu.memory_space<vmem>>
        %dma_start3A_124 = arith.constant 0 : i32
        %dma_start3A_125 = arith.constant 0 : i32
        %dma_start3A_126 = tpu.memref_slice %arg3[%dma_start3A_124, %dma_start3A_125] : memref<10000x64xf32, #tpu.memory_space<hbm>> -> memref<10000x64xf32, #tpu.memory_space<hbm>>
        tpu.enqueue_indirect_dma source(%dma_start3A_126 : memref<10000x64xf32, #tpu.memory_space<hbm>>) target(%arg15 : memref<128x64xf32, #tpu.memory_space<vmem>>) offsets(%dma_start3A_123 : memref<128xi32, #tpu.memory_space<vmem>>) semaphore(%arg24 : memref<!tpu.dma_semaphore, #tpu.memory_space<semaphore_mem>>)
        %add3A_127 = arith.constant 2 : i32
        %add3A_128 = arith.addi %mul3A_66, %add3A_127 : i32
        "tpu.region"() ({
          %run_scoped3A = tpu.sem_alloc : memref<!tpu.dma_semaphore, #tpu.memory_space<semaphore_mem>>
          %dma_start3A_150 = arith.constant 0 : i32
          %dma_start3A_151 = tpu.memref_slice %arg13[%add3A_128, %dma_start3A_150] : memref<160x128xi32, #tpu.memory_space<vmem>> -> memref<1x128xi32, #tpu.memory_space<vmem>>
          %dma_start3A_152 = tpu.memref_squeeze %dma_start3A_151 : memref<1x128xi32, #tpu.memory_space<vmem>> -> memref<128xi32, #tpu.memory_space<vmem>>
          %dma_start3A_153 = arith.constant 0 : i32
          %dma_start3A_154 = arith.constant 0 : i32
          %dma_start3A_155 = tpu.memref_slice %arg21[%dma_start3A_153, %dma_start3A_154] : memref<10240x64xf32, #tpu.memory_space<vmem_shared>> -> memref<10240x64xf32, #tpu.memory_space<vmem_shared>>
          tpu.enqueue_indirect_dma source(%arg16 : memref<128x64xf32, #tpu.memory_space<vmem>>) target(%dma_start3A_155 : memref<10240x64xf32, #tpu.memory_space<vmem_shared>>) offsets(%dma_start3A_152 : memref<128xi32, #tpu.memory_space<vmem>>) semaphore(%run_scoped3A : memref<!tpu.dma_semaphore, #tpu.memory_space<semaphore_mem>>) {add = true}
          %dma_wait3A_156 = arith.constant 0 : i32
          %dma_wait3A_157 = tpu.memref_slice %arg13[%add3A_128, %dma_wait3A_156] : memref<160x128xi32, #tpu.memory_space<vmem>> -> memref<1x128xi32, #tpu.memory_space<vmem>>
          %dma_wait3A_158 = tpu.memref_squeeze %dma_wait3A_157 : memref<1x128xi32, #tpu.memory_space<vmem>> -> memref<128xi32, #tpu.memory_space<vmem>>
          %dma_wait3A_159 = arith.constant 0 : i32
          %dma_wait3A_160 = arith.constant 0 : i32
          %dma_wait3A_161 = tpu.memref_slice %arg21[%dma_wait3A_159, %dma_wait3A_160] : memref<10240x64xf32, #tpu.memory_space<vmem_shared>> -> memref<10240x64xf32, #tpu.memory_space<vmem_shared>>
          tpu.wait_indirect_dma semaphore(%run_scoped3A : memref<!tpu.dma_semaphore, #tpu.memory_space<semaphore_mem>>) src(%arg16 : memref<128x64xf32, #tpu.memory_space<vmem>>) dst(%dma_wait3A_161 : memref<10240x64xf32, #tpu.memory_space<vmem_shared>>)
          tpu.yield
        }) : () -> ()
        %dma_wait3A_129 = arith.constant 0 : i32
        %dma_wait3A_130 = arith.constant 0 : i32
        %dma_wait3A_131 = tpu.memref_slice %arg12[%dma_wait3A_129, %dma_wait3A_130] : memref<160x128xi32, #tpu.memory_space<vmem>> -> memref<1x128xi32, #tpu.memory_space<vmem>>
        %dma_wait3A_132 = tpu.memref_squeeze %dma_wait3A_131 : memref<1x128xi32, #tpu.memory_space<vmem>> -> memref<128xi32, #tpu.memory_space<vmem>>
        %dma_wait3A_133 = arith.constant 0 : i32
        %dma_wait3A_134 = arith.constant 0 : i32
        %dma_wait3A_135 = tpu.memref_slice %arg3[%dma_wait3A_133, %dma_wait3A_134] : memref<10000x64xf32, #tpu.memory_space<hbm>> -> memref<10000x64xf32, #tpu.memory_space<hbm>>
        tpu.wait_indirect_dma semaphore(%arg26 : memref<!tpu.dma_semaphore, #tpu.memory_space<semaphore_mem>>) src(%dma_wait3A_135 : memref<10000x64xf32, #tpu.memory_space<hbm>>) dst(%arg17 : memref<128x64xf32, #tpu.memory_space<vmem>>)
        %add3A_136 = arith.constant 3 : i32
        %add3A_137 = arith.addi %mul3A_66, %add3A_136 : i32
        %add3A_138 = arith.constant 3 : i32
        %add3A_139 = arith.addi %add3A_137, %add3A_138 : i32
        %min3A_140 = arith.constant 159 : i32
        %min3A_141 = arith.minsi %add3A_139, %min3A_140 : i32
        %dma_start3A_142 = arith.constant 0 : i32
        %dma_start3A_143 = tpu.memref_slice %arg12[%min3A_141, %dma_start3A_142] : memref<160x128xi32, #tpu.memory_space<vmem>> -> memref<1x128xi32, #tpu.memory_space<vmem>>
        %dma_start3A_144 = tpu.memref_squeeze %dma_start3A_143 : memref<1x128xi32, #tpu.memory_space<vmem>> -> memref<128xi32, #tpu.memory_space<vmem>>
        %dma_start3A_145 = arith.constant 0 : i32
        %dma_start3A_146 = arith.constant 0 : i32
        %dma_start3A_147 = tpu.memref_slice %arg3[%dma_start3A_145, %dma_start3A_146] : memref<10000x64xf32, #tpu.memory_space<hbm>> -> memref<10000x64xf32, #tpu.memory_space<hbm>>
        tpu.enqueue_indirect_dma source(%dma_start3A_147 : memref<10000x64xf32, #tpu.memory_space<hbm>>) target(%arg16 : memref<128x64xf32, #tpu.memory_space<vmem>>) offsets(%dma_start3A_144 : memref<128xi32, #tpu.memory_space<vmem>>) semaphore(%arg25 : memref<!tpu.dma_semaphore, #tpu.memory_space<semaphore_mem>>)
        %add3A_148 = arith.constant 3 : i32
        %add3A_149 = arith.addi %mul3A_66, %add3A_148 : i32
        "tpu.region"() ({
          %run_scoped3A = tpu.sem_alloc : memref<!tpu.dma_semaphore, #tpu.memory_space<semaphore_mem>>
          %dma_start3A_150 = arith.constant 0 : i32
          %dma_start3A_151 = tpu.memref_slice %arg13[%add3A_149, %dma_start3A_150] : memref<160x128xi32, #tpu.memory_space<vmem>> -> memref<1x128xi32, #tpu.memory_space<vmem>>
          %dma_start3A_152 = tpu.memref_squeeze %dma_start3A_151 : memref<1x128xi32, #tpu.memory_space<vmem>> -> memref<128xi32, #tpu.memory_space<vmem>>
          %dma_start3A_153 = arith.constant 0 : i32
          %dma_start3A_154 = arith.constant 0 : i32
          %dma_start3A_155 = tpu.memref_slice %arg21[%dma_start3A_153, %dma_start3A_154] : memref<10240x64xf32, #tpu.memory_space<vmem_shared>> -> memref<10240x64xf32, #tpu.memory_space<vmem_shared>>
          tpu.enqueue_indirect_dma source(%arg17 : memref<128x64xf32, #tpu.memory_space<vmem>>) target(%dma_start3A_155 : memref<10240x64xf32, #tpu.memory_space<vmem_shared>>) offsets(%dma_start3A_152 : memref<128xi32, #tpu.memory_space<vmem>>) semaphore(%run_scoped3A : memref<!tpu.dma_semaphore, #tpu.memory_space<semaphore_mem>>) {add = true}
          %dma_wait3A_156 = arith.constant 0 : i32
          %dma_wait3A_157 = tpu.memref_slice %arg13[%add3A_149, %dma_wait3A_156] : memref<160x128xi32, #tpu.memory_space<vmem>> -> memref<1x128xi32, #tpu.memory_space<vmem>>
          %dma_wait3A_158 = tpu.memref_squeeze %dma_wait3A_157 : memref<1x128xi32, #tpu.memory_space<vmem>> -> memref<128xi32, #tpu.memory_space<vmem>>
          %dma_wait3A_159 = arith.constant 0 : i32
          %dma_wait3A_160 = arith.constant 0 : i32
          %dma_wait3A_161 = tpu.memref_slice %arg21[%dma_wait3A_159, %dma_wait3A_160] : memref<10240x64xf32, #tpu.memory_space<vmem_shared>> -> memref<10240x64xf32, #tpu.memory_space<vmem_shared>>
          tpu.wait_indirect_dma semaphore(%run_scoped3A : memref<!tpu.dma_semaphore, #tpu.memory_space<semaphore_mem>>) src(%arg17 : memref<128x64xf32, #tpu.memory_space<vmem>>) dst(%dma_wait3A_161 : memref<10240x64xf32, #tpu.memory_space<vmem_shared>>)
          tpu.yield
        }) : () -> ()
      }
      %scan3A_43 = arith.constant 40 : i32
      %dma_wait3A = arith.constant 0 : i32
      %dma_wait3A_44 = arith.constant 0 : i32
      %dma_wait3A_45 = tpu.memref_slice %arg12[%dma_wait3A, %dma_wait3A_44] : memref<160x128xi32, #tpu.memory_space<vmem>> -> memref<1x128xi32, #tpu.memory_space<vmem>>
      %dma_wait3A_46 = tpu.memref_squeeze %dma_wait3A_45 : memref<1x128xi32, #tpu.memory_space<vmem>> -> memref<128xi32, #tpu.memory_space<vmem>>
      %dma_wait3A_47 = arith.constant 0 : i32
      %dma_wait3A_48 = arith.constant 0 : i32
      %dma_wait3A_49 = tpu.memref_slice %arg3[%dma_wait3A_47, %dma_wait3A_48] : memref<10000x64xf32, #tpu.memory_space<hbm>> -> memref<10000x64xf32, #tpu.memory_space<hbm>>
      tpu.wait_indirect_dma semaphore(%arg23 : memref<!tpu.dma_semaphore, #tpu.memory_space<semaphore_mem>>) src(%dma_wait3A_49 : memref<10000x64xf32, #tpu.memory_space<hbm>>) dst(%arg14 : memref<128x64xf32, #tpu.memory_space<vmem>>)
      %dma_wait3A_50 = arith.constant 0 : i32
      %dma_wait3A_51 = arith.constant 0 : i32
      %dma_wait3A_52 = tpu.memref_slice %arg12[%dma_wait3A_50, %dma_wait3A_51] : memref<160x128xi32, #tpu.memory_space<vmem>> -> memref<1x128xi32, #tpu.memory_space<vmem>>
      %dma_wait3A_53 = tpu.memref_squeeze %dma_wait3A_52 : memref<1x128xi32, #tpu.memory_space<vmem>> -> memref<128xi32, #tpu.memory_space<vmem>>
      %dma_wait3A_54 = arith.constant 0 : i32
      %dma_wait3A_55 = arith.constant 0 : i32
      %dma_wait3A_56 = tpu.memref_slice %arg3[%dma_wait3A_54, %dma_wait3A_55] : memref<10000x64xf32, #tpu.memory_space<hbm>> -> memref<10000x64xf32, #tpu.memory_space<hbm>>
      tpu.wait_indirect_dma semaphore(%arg24 : memref<!tpu.dma_semaphore, #tpu.memory_space<semaphore_mem>>) src(%dma_wait3A_56 : memref<10000x64xf32, #tpu.memory_space<hbm>>) dst(%arg15 : memref<128x64xf32, #tpu.memory_space<vmem>>)
      %dma_wait3A_57 = arith.constant 0 : i32
      %dma_wait3A_58 = arith.constant 0 : i32
      %dma_wait3A_59 = tpu.memref_slice %arg12[%dma_wait3A_57, %dma_wait3A_58] : memref<160x128xi32, #tpu.memory_space<vmem>> -> memref<1x128xi32, #tpu.memory_space<vmem>>
      %dma_wait3A_60 = tpu.memref_squeeze %dma_wait3A_59 : memref<1x128xi32, #tpu.memory_space<vmem>> -> memref<128xi32, #tpu.memory_space<vmem>>
      %dma_wait3A_61 = arith.constant 0 : i32
      %dma_wait3A_62 = arith.constant 0 : i32
      %dma_wait3A_63 = tpu.memref_slice %arg3[%dma_wait3A_61, %dma_wait3A_62] : memref<10000x64xf32, #tpu.memory_space<hbm>> -> memref<10000x64xf32, #tpu.memory_space<hbm>>
      tpu.wait_indirect_dma semaphore(%arg25 : memref<!tpu.dma_semaphore, #tpu.memory_space<semaphore_mem>>) src(%dma_wait3A_63 : memref<10000x64xf32, #tpu.memory_space<hbm>>) dst(%arg16 : memref<128x64xf32, #tpu.memory_space<vmem>>)
    } else {
    }
    %barrier3A_8 = arith.constant 0 : index
    tpu.barrier barrier_id(%barrier3A_8)
    "tpu.region"() ({
      %run_scoped3A = tpu.sem_alloc : memref<!tpu.dma_semaphore, #tpu.memory_space<semaphore_mem>>
      %dma_start3A = arith.constant 0 : i32
      %dma_start3A_14 = tpu.memref_slice %arg9[%arg0, %mul3A_0, %dma_start3A] : memref<2x10240x64xf32, #tpu.memory_space<hbm>> -> memref<1x640x64xf32, #tpu.memory_space<hbm>>
      %dma_start3A_15 = tpu.memref_squeeze %dma_start3A_14 : memref<1x640x64xf32, #tpu.memory_space<hbm>> -> memref<640x64xf32, #tpu.memory_space<hbm>>
      %dma_start3A_16 = arith.constant 0 : i32
      %dma_start3A_17 = tpu.memref_slice %arg21[%mul3A_0, %dma_start3A_16] : memref<10240x64xf32, #tpu.memory_space<vmem_shared>> -> memref<640x64xf32, #tpu.memory_space<vmem_shared>>
      tpu.enqueue_dma source(%dma_start3A_17 : memref<640x64xf32, #tpu.memory_space<vmem_shared>>) target(%dma_start3A_15 : memref<640x64xf32, #tpu.memory_space<hbm>>) target_semaphore(%run_scoped3A : memref<!tpu.dma_semaphore, #tpu.memory_space<semaphore_mem>>)
      %dma_wait3A = arith.constant 0 : i32
      %dma_wait3A_18 = tpu.memref_slice %arg9[%arg0, %mul3A_0, %dma_wait3A] : memref<2x10240x64xf32, #tpu.memory_space<hbm>> -> memref<1x640x64xf32, #tpu.memory_space<hbm>>
      %dma_wait3A_19 = tpu.memref_squeeze %dma_wait3A_18 : memref<1x640x64xf32, #tpu.memory_space<hbm>> -> memref<640x64xf32, #tpu.memory_space<hbm>>
      %dma_wait3A_20 = arith.constant 0 : i32
      %dma_wait3A_21 = tpu.memref_slice %arg21[%mul3A_0, %dma_wait3A_20] : memref<10240x64xf32, #tpu.memory_space<vmem_shared>> -> memref<640x64xf32, #tpu.memory_space<vmem_shared>>
      tpu.wait_dma2 semaphore(%run_scoped3A : memref<!tpu.dma_semaphore, #tpu.memory_space<semaphore_mem>>) src(%dma_wait3A_21 : memref<640x64xf32, #tpu.memory_space<vmem_shared>>) dst(%dma_wait3A_19 : memref<640x64xf32, #tpu.memory_space<hbm>>)
      tpu.yield
    }) : () -> ()
    "tpu.region"() ({
      %run_scoped3A = tpu.sem_alloc : memref<!tpu.dma_semaphore, #tpu.memory_space<semaphore_mem>>
      %dma_start3A = arith.constant 0 : i32
      %dma_start3A_14 = tpu.memref_slice %arg10[%arg0, %mul3A_0, %dma_start3A] : memref<2x10240x8xf32, #tpu.memory_space<hbm>> -> memref<1x640x8xf32, #tpu.memory_space<hbm>>
      %dma_start3A_15 = tpu.memref_squeeze %dma_start3A_14 : memref<1x640x8xf32, #tpu.memory_space<hbm>> -> memref<640x8xf32, #tpu.memory_space<hbm>>
      %dma_start3A_16 = arith.constant 0 : i32
      %dma_start3A_17 = tpu.memref_slice %arg22[%mul3A_0, %dma_start3A_16] : memref<10240x8xf32, #tpu.memory_space<vmem_shared>> -> memref<640x8xf32, #tpu.memory_space<vmem_shared>>
      tpu.enqueue_dma source(%dma_start3A_17 : memref<640x8xf32, #tpu.memory_space<vmem_shared>>) target(%dma_start3A_15 : memref<640x8xf32, #tpu.memory_space<hbm>>) target_semaphore(%run_scoped3A : memref<!tpu.dma_semaphore, #tpu.memory_space<semaphore_mem>>)
      %dma_wait3A = arith.constant 0 : i32
      %dma_wait3A_18 = tpu.memref_slice %arg10[%arg0, %mul3A_0, %dma_wait3A] : memref<2x10240x8xf32, #tpu.memory_space<hbm>> -> memref<1x640x8xf32, #tpu.memory_space<hbm>>
      %dma_wait3A_19 = tpu.memref_squeeze %dma_wait3A_18 : memref<1x640x8xf32, #tpu.memory_space<hbm>> -> memref<640x8xf32, #tpu.memory_space<hbm>>
      %dma_wait3A_20 = arith.constant 0 : i32
      %dma_wait3A_21 = tpu.memref_slice %arg22[%mul3A_0, %dma_wait3A_20] : memref<10240x8xf32, #tpu.memory_space<vmem_shared>> -> memref<640x8xf32, #tpu.memory_space<vmem_shared>>
      tpu.wait_dma2 semaphore(%run_scoped3A : memref<!tpu.dma_semaphore, #tpu.memory_space<semaphore_mem>>) src(%dma_wait3A_21 : memref<640x8xf32, #tpu.memory_space<vmem_shared>>) dst(%dma_wait3A_19 : memref<640x8xf32, #tpu.memory_space<hbm>>)
      tpu.yield
    }) : () -> ()
    %eq3A_9 = arith.constant 0 : i32
    %eq3A_10 = arith.cmpi eq, %arg0, %eq3A_9 : i32
    %convert_element_type3A_11 = arith.extui %eq3A_10 : i1 to i32
    %cond3A_12 = arith.constant 0 : i32
    %cond3A_13 = arith.cmpi ne, %convert_element_type3A_11, %cond3A_12 : i32
    scf.if %cond3A_13 {
      "tpu.region"() ({
        %run_scoped3A = tpu.sem_alloc : memref<!tpu.dma_semaphore, #tpu.memory_space<semaphore_mem>>
        %dma_start3A = arith.constant 0 : i32
        %dma_start3A_20 = tpu.memref_slice %arg22[%mul3A_0, %dma_start3A] : memref<10240x8xf32, #tpu.memory_space<vmem_shared>> -> memref<640x8xf32, #tpu.memory_space<vmem_shared>>
        %dma_start3A_21 = arith.constant 0 : i32
        %dma_start3A_22 = tpu.memref_slice %arg22[%mul3A_0, %dma_start3A_21] : memref<10240x8xf32, #tpu.memory_space<vmem_shared>> -> memref<640x8xf32, #tpu.memory_space<vmem_shared>>
        tpu.enqueue_dma source(%dma_start3A_22 : memref<640x8xf32, #tpu.memory_space<vmem_shared>>) target(%arg19 : memref<640x8xf32, #tpu.memory_space<vmem>>) target_semaphore(%run_scoped3A : memref<!tpu.dma_semaphore, #tpu.memory_space<semaphore_mem>>)
        %dma_wait3A = arith.constant 0 : i32
        %dma_wait3A_23 = tpu.memref_slice %arg22[%mul3A_0, %dma_wait3A] : memref<10240x8xf32, #tpu.memory_space<vmem_shared>> -> memref<640x8xf32, #tpu.memory_space<vmem_shared>>
        %dma_wait3A_24 = arith.constant 0 : i32
        %dma_wait3A_25 = tpu.memref_slice %arg22[%mul3A_0, %dma_wait3A_24] : memref<10240x8xf32, #tpu.memory_space<vmem_shared>> -> memref<640x8xf32, #tpu.memory_space<vmem_shared>>
        tpu.wait_dma2 semaphore(%run_scoped3A : memref<!tpu.dma_semaphore, #tpu.memory_space<semaphore_mem>>) src(%dma_wait3A_25 : memref<640x8xf32, #tpu.memory_space<vmem_shared>>) dst(%arg19 : memref<640x8xf32, #tpu.memory_space<vmem>>)
        tpu.yield
      }) : () -> ()
      %iota3A = tpu.iota {dimensions = array<i32: 0>} : vector<16xi32>
      %broadcast_in_dim3A = arith.constant 0 : i32
      %broadcast_in_dim3A_14 = vector.broadcast %broadcast_in_dim3A : i32 to vector<16xi32>
      %scan3A = arith.constant 0 : i32
      %scan3A_15 = arith.constant 0 : i32
      %scan3A_16 = arith.constant 40 : i32
      %scan3A_17 = arith.addi %scan3A_15, %scan3A_16 : i32
      %scan3A_18 = arith.constant 1 : i32
      scf.for %scan3A_20 = %scan3A_15 to %scan3A_17 step %scan3A_18  : i32 {
        %mul3A_21 = arith.constant 16 : i32
        %mul3A_22 = arith.muli %scan3A_20, %mul3A_21 : i32
        %add3A = vector.broadcast %mul3A_22 : i32 to vector<16xi32>
        %add3A_23 = arith.addi %add3A, %iota3A : vector<16xi32>
        %gather3A = tpu.vector_load_idx %arg19[%add3A_23, %broadcast_in_dim3A_14] : memref<640x8xf32, #tpu.memory_space<vmem>>[vector<16xi32>, vector<16xi32>], vector<16xf32>,
        %max3A = arith.constant 1.000000e+00 : f32
        %max3A_24 = vector.broadcast %max3A : f32 to vector<16xf32>
        %max3A_25 = arith.maximumf %gather3A, %max3A_24 : vector<16xf32>
        %div3A = arith.constant 1.000000e+00 : f32
        %div3A_26 = vector.broadcast %div3A : f32 to vector<16xf32>
        %div3A_27 = arith.divf %div3A_26, %max3A_25 : vector<16xf32>
        %add3A_28 = vector.broadcast %mul3A_0 : i32 to vector<16xi32>
        %add3A_29 = arith.addi %add3A_28, %add3A_23 : vector<16xi32>
        %lt3A = arith.constant 10000 : i32
        %lt3A_30 = vector.broadcast %lt3A : i32 to vector<16xi32>
        %lt3A_31 = arith.cmpi slt, %add3A_29, %lt3A_30 : vector<16xi32>
        %jit3A = arith.constant 0.000000e+00 : f32
        %broadcast_in_dim3A_32 = vector.broadcast %jit3A : f32 to vector<16xf32>
        %select_n3A = arith.select %lt3A_31, %div3A_27, %broadcast_in_dim3A_32 : vector<16xi1>, vector<16xf32>
        %mul3A_33 = arith.constant 16 : i32
        %mul3A_34 = arith.muli %scan3A_20, %mul3A_33 : i32
        %swap3A = arith.index_cast %mul3A_34 : i32 to index
        %swap3A_35 = tpu.vector_load %arg20[%swap3A] {strides = array<i32>} : memref<640xf32, #tpu.memory_space<vmem>>, vector<16xf32>,
        tpu.vector_store %arg20[%swap3A], %select_n3A {strides = array<i32>} : memref<640xf32, #tpu.memory_space<vmem>>, vector<16xf32>,
      }
      %scan3A_19 = arith.constant 40 : i32
      "tpu.region"() ({
        %run_scoped3A = tpu.sem_alloc : memref<!tpu.dma_semaphore, #tpu.memory_space<semaphore_mem>>
        %dma_start3A = tpu.memref_slice %arg11[%mul3A_0] : memref<10240xf32, #tpu.memory_space<hbm>> -> memref<640xf32, #tpu.memory_space<hbm>>
        %dma_start3A_20 = tpu.memref_slice %arg11[%mul3A_0] : memref<10240xf32, #tpu.memory_space<hbm>> -> memref<640xf32, #tpu.memory_space<hbm>>
        tpu.enqueue_dma source(%arg20 : memref<640xf32, #tpu.memory_space<vmem>>) target(%dma_start3A_20 : memref<640xf32, #tpu.memory_space<hbm>>) target_semaphore(%run_scoped3A : memref<!tpu.dma_semaphore, #tpu.memory_space<semaphore_mem>>)
        %dma_wait3A = tpu.memref_slice %arg11[%mul3A_0] : memref<10240xf32, #tpu.memory_space<hbm>> -> memref<640xf32, #tpu.memory_space<hbm>>
        %dma_wait3A_21 = tpu.memref_slice %arg11[%mul3A_0] : memref<10240xf32, #tpu.memory_space<hbm>> -> memref<640xf32, #tpu.memory_space<hbm>>
        tpu.wait_dma2 semaphore(%run_scoped3A : memref<!tpu.dma_semaphore, #tpu.memory_space<semaphore_mem>>) src(%arg20 : memref<640xf32, #tpu.memory_space<vmem>>) dst(%dma_wait3A_21 : memref<640xf32, #tpu.memory_space<hbm>>)
        tpu.yield
      }) : () -> ()
    } else {
    }
    return
  }
}

module attributes {stable_mosaic.version = 14 : i64} {
  func.func @_tcf_body(%arg0: i32, %arg1: memref<2x2048x64xf32, #tpu.memory_space<vmem>>, %arg2: memref<2x2048x8xf32, #tpu.memory_space<vmem>>, %arg3: memref<2048x128xf32, #tpu.memory_space<vmem>>, %arg4: memref<2x2048x8xf32, #tpu.memory_space<vmem>>, %arg5: memref<128x128xf32, #tpu.memory_space<vmem>>, %arg6: memref<128x128xf32, #tpu.memory_space<vmem>>, %arg7: memref<1x128xf32, #tpu.memory_space<vmem>>, %arg8: memref<128x128xf32, #tpu.memory_space<vmem>>, %arg9: memref<128x128xf32, #tpu.memory_space<vmem>>, %arg10: memref<128x128xf32, #tpu.memory_space<vmem>>, %arg11: memref<1x128xf32, #tpu.memory_space<vmem>>, %arg12: memref<1x128xf32, #tpu.memory_space<vmem>>, %arg13: memref<1x128xf32, #tpu.memory_space<vmem>>, %arg14: memref<8x128xf32, #tpu.memory_space<vmem>>) attributes {dimension_semantics = [#tpu.dimension_semantics<arbitrary>], iteration_bounds = array<i64: 5>, scalar_prefetch = 0 : i64, scratch_operands = 1 : i64, tpu.core_type = #tpu.core_type<tc>, window_params = [{transform_indices = @transform_0, window_bounds = array<i64: 2, 2048, 64>}, {transform_indices = @transform_1, window_bounds = array<i64: 2, 2048, 8>}, {transform_indices = @transform_2, window_bounds = array<i64: 2048, 128>}, {transform_indices = @transform_3, window_bounds = array<i64: 2, 2048, 8>}, {pipeline_mode = #tpu.pipeline_mode<synchronous>, transform_indices = @transform_4, window_bounds = array<i64: 128, 128>}, {pipeline_mode = #tpu.pipeline_mode<synchronous>, transform_indices = @transform_5, window_bounds = array<i64: 128, 128>}, {pipeline_mode = #tpu.pipeline_mode<synchronous>, transform_indices = @transform_6, window_bounds = array<i64: 1, 128>}, {pipeline_mode = #tpu.pipeline_mode<synchronous>, transform_indices = @transform_7, window_bounds = array<i64: 128, 128>}, {pipeline_mode = #tpu.pipeline_mode<synchronous>, transform_indices = @transform_8, window_bounds = array<i64: 128, 128>}, {pipeline_mode = #tpu.pipeline_mode<synchronous>, transform_indices = @transform_9, window_bounds = array<i64: 128, 128>}, {pipeline_mode = #tpu.pipeline_mode<synchronous>, transform_indices = @transform_10, window_bounds = array<i64: 1, 128>}, {pipeline_mode = #tpu.pipeline_mode<synchronous>, transform_indices = @transform_11, window_bounds = array<i64: 1, 128>}, {pipeline_mode = #tpu.pipeline_mode<synchronous>, transform_indices = @transform_12, window_bounds = array<i64: 1, 128>}]} {
    %eq3A = arith.constant 0 : i32
    %eq3A_0 = arith.cmpi eq, %arg0, %eq3A : i32
    %convert_element_type3A = arith.extui %eq3A_0 : i1 to i32
    %cond3A = arith.constant 0 : i32
    %cond3A_1 = arith.cmpi ne, %convert_element_type3A, %cond3A : i32
    scf.if %cond3A_1 {
      %broadcast_in_dim3A_82 = arith.constant 0.000000e+00 : f32
      %broadcast_in_dim3A_83 = vector.broadcast %broadcast_in_dim3A_82 : f32 to vector<8x128xf32>
      %swap3A_84 = arith.constant 0 : index
      %swap3A_85 = arith.constant 0 : index
      %swap3A_86 = vector.load %arg14[%swap3A_84, %swap3A_85] : memref<8x128xf32, #tpu.memory_space<vmem>>, vector<8x128xf32>
      tpu.vector_store %arg14[%swap3A_84, %swap3A_85], %broadcast_in_dim3A_83 {strides = array<i32>} : memref<8x128xf32, #tpu.memory_space<vmem>>, vector<8x128xf32>,
    } else {
    }
    %get3A = arith.constant 0 : index
    %get3A_2 = arith.constant 0 : index
    %get3A_3 = arith.constant 0 : index
    %get3A_4 = vector.load %arg1[%get3A, %get3A_2, %get3A_3] : memref<2x2048x64xf32, #tpu.memory_space<vmem>>, vector<1x2048x64xf32>
    %get3A_5 = vector.shape_cast %get3A_4 : vector<1x2048x64xf32> to vector<2048x64xf32>
    %get3A_6 = arith.constant 1 : index
    %get3A_7 = arith.constant 0 : index
    %get3A_8 = arith.constant 0 : index
    %get3A_9 = vector.load %arg1[%get3A_6, %get3A_7, %get3A_8] : memref<2x2048x64xf32, #tpu.memory_space<vmem>>, vector<1x2048x64xf32>
    %get3A_10 = vector.shape_cast %get3A_9 : vector<1x2048x64xf32> to vector<2048x64xf32>
    %concatenate3A = tpu.concatenate %get3A_5, %get3A_10 in 1 : vector<2048x64xf32>, vector<2048x64xf32> -> vector<2048x128xf32>
    %get3A_11 = arith.constant 0 : index
    %get3A_12 = arith.constant 0 : index
    %get3A_13 = arith.constant 0 : index
    %get3A_14 = vector.load %arg2[%get3A_11, %get3A_12, %get3A_13] : memref<2x2048x8xf32, #tpu.memory_space<vmem>>, vector<1x2048x1xf32>
    %get3A_15 = vector.shape_cast %get3A_14 : vector<1x2048x1xf32> to vector<2048x1xf32>
    %max3A = arith.constant 1.000000e+00 : f32
    %max3A_16 = vector.broadcast %max3A : f32 to vector<2048x1xf32>
    %max3A_17 = arith.maximumf %get3A_15, %max3A_16 : vector<2048x1xf32>
    %div3A = arith.constant 1.000000e+00 : f32
    %div3A_18 = vector.broadcast %div3A : f32 to vector<2048x1xf32>
    %div3A_19 = arith.divf %div3A_18, %max3A_17 : vector<2048x1xf32>
    %mul3A = arith.constant 2048 : i32
    %mul3A_20 = arith.muli %arg0, %mul3A : i32
    %iota3A = tpu.iota {dimensions = array<i32: 0>} : vector<2048x1xi32>
    %add3A = vector.broadcast %mul3A_20 : i32 to vector<2048x1xi32>
    %add3A_21 = arith.addi %add3A, %iota3A : vector<2048x1xi32>
    %lt3A = arith.constant 10000 : i32
    %lt3A_22 = vector.broadcast %lt3A : i32 to vector<2048x1xi32>
    %lt3A_23 = arith.cmpi slt, %add3A_21, %lt3A_22 : vector<2048x1xi32>
    %jit3A = arith.constant 0.000000e+00 : f32
    %broadcast_in_dim3A = vector.broadcast %jit3A : f32 to vector<2048x1xf32>
    %select_n3A = arith.select %lt3A_23, %div3A_19, %broadcast_in_dim3A : vector<2048x1xi1>, vector<2048x1xf32>
    %mul3A_24 = vector.broadcast %select_n3A : vector<2048x1xf32> to vector<2048x128xf32>
    %mul3A_25 = arith.mulf %concatenate3A, %mul3A_24 : vector<2048x128xf32>
    %get3A_26 = arith.constant 0 : index
    %get3A_27 = arith.constant 0 : index
    %get3A_28 = vector.load %arg5[%get3A_26, %get3A_27] : memref<128x128xf32, #tpu.memory_space<vmem>>, vector<128x128xf32>
    %dot_general3A = arith.constant dense<0.000000e+00> : vector<2048x128xf32>
    %dot_general3A_29 = tpu.matmul %mul3A_25, %get3A_28, %dot_general3A {dimension_numbers = #tpu.dot_dimension_numbers<[1], [0], [0], [1], [0, 0, 1, 1], [], []>, transpose_lhs_hint = false} : vector<2048x128xf32>, vector<128x128xf32>, vector<2048x128xf32> -> vector<2048x128xf32>
    %get3A_30 = arith.constant 0 : index
    %get3A_31 = arith.constant 0 : index
    %get3A_32 = vector.load %arg3[%get3A_30, %get3A_31] : memref<2048x128xf32, #tpu.memory_space<vmem>>, vector<2048x128xf32>
    %get3A_33 = arith.constant 0 : index
    %get3A_34 = arith.constant 0 : index
    %get3A_35 = vector.load %arg6[%get3A_33, %get3A_34] : memref<128x128xf32, #tpu.memory_space<vmem>>, vector<128x128xf32>
    %dot_general3A_36 = arith.constant dense<0.000000e+00> : vector<2048x128xf32>
    %dot_general3A_37 = tpu.matmul %get3A_32, %get3A_35, %dot_general3A_36 {dimension_numbers = #tpu.dot_dimension_numbers<[1], [0], [0], [1], [0, 0, 1, 1], [], []>, transpose_lhs_hint = false} : vector<2048x128xf32>, vector<128x128xf32>, vector<2048x128xf32> -> vector<2048x128xf32>
    %add3A_38 = arith.addf %dot_general3A_29, %dot_general3A_37 : vector<2048x128xf32>
    %get3A_39 = arith.constant 0 : index
    %get3A_40 = arith.constant 0 : index
    %get3A_41 = vector.load %arg7[%get3A_39, %get3A_40] : memref<1x128xf32, #tpu.memory_space<vmem>>, vector<1x128xf32>
    %add3A_42 = vector.broadcast %get3A_41 : vector<1x128xf32> to vector<2048x128xf32>
    %add3A_43 = arith.addf %add3A_38, %add3A_42 : vector<2048x128xf32>
    %max3A_44 = arith.constant 0.000000e+00 : f32
    %max3A_45 = vector.broadcast %max3A_44 : f32 to vector<2048x128xf32>
    %max3A_46 = arith.maximumf %add3A_43, %max3A_45 : vector<2048x128xf32>
    %jit3A_47 = arith.constant 0.000000e+00 : f32
    %broadcast_in_dim3A_48 = vector.shape_cast %lt3A_23 : vector<2048x1xi1> to vector<2048x1xi1>
    %broadcast_in_dim3A_49 = vector.broadcast %broadcast_in_dim3A_48 : vector<2048x1xi1> to vector<2048x128xi1>
    %broadcast_in_dim3A_50 = vector.broadcast %jit3A_47 : f32 to vector<2048x128xf32>
    %select_n3A_51 = arith.select %broadcast_in_dim3A_49, %max3A_46, %broadcast_in_dim3A_50 : vector<2048x128xi1>, vector<2048x128xf32>
    %get3A_52 = arith.constant 0 : index
    %get3A_53 = arith.constant 0 : index
    %get3A_54 = arith.constant 0 : index
    %get3A_55 = vector.load %arg4[%get3A_52, %get3A_53, %get3A_54] : memref<2x2048x8xf32, #tpu.memory_space<vmem>>, vector<1x2048x1xf32>
    %get3A_56 = vector.shape_cast %get3A_55 : vector<1x2048x1xf32> to vector<2048x1xf32>
    %get3A_57 = arith.constant 1 : index
    %get3A_58 = arith.constant 0 : index
    %get3A_59 = arith.constant 0 : index
    %get3A_60 = vector.load %arg4[%get3A_57, %get3A_58, %get3A_59] : memref<2x2048x8xf32, #tpu.memory_space<vmem>>, vector<1x2048x1xf32>
    %get3A_61 = vector.shape_cast %get3A_60 : vector<1x2048x1xf32> to vector<2048x1xf32>
    %add3A_62 = arith.addf %get3A_56, %get3A_61 : vector<2048x1xf32>
    %mul3A_63 = arith.constant 9.99999974E-5 : f32
    %mul3A_64 = vector.broadcast %mul3A_63 : f32 to vector<2048x1xf32>
    %mul3A_65 = arith.mulf %add3A_62, %mul3A_64 : vector<2048x1xf32>
    %broadcast_in_dim3A_66 = arith.constant 9.99999974E-5 : f32
    %broadcast_in_dim3A_67 = vector.broadcast %broadcast_in_dim3A_66 : f32 to vector<2048x1xf32>
    %concatenate3A_68 = tpu.concatenate %mul3A_65, %broadcast_in_dim3A_67 in 1 : vector<2048x1xf32>, vector<2048x1xf32> -> vector<2048x2xf32>
    %dot_general3A_69 = arith.constant dense<0.000000e+00> : vector<2x128xf32>
    %dot_general3A_70 = tpu.matmul %concatenate3A_68, %select_n3A_51, %dot_general3A_69 {dimension_numbers = #tpu.dot_dimension_numbers<[0], [0], [1], [1], [0, 1, 1, 1], [], []>, transpose_lhs_hint = false} : vector<2048x2xf32>, vector<2048x128xf32>, vector<2x128xf32> -> vector<2x128xf32>
    %get3A_71 = arith.constant 0 : index
    %get3A_72 = arith.constant 0 : index
    %get3A_73 = vector.load %arg14[%get3A_71, %get3A_72] : memref<8x128xf32, #tpu.memory_space<vmem>>, vector<2x128xf32>
    %add3A_74 = arith.addf %get3A_73, %dot_general3A_70 : vector<2x128xf32>
    %swap3A = arith.constant 0 : index
    %swap3A_75 = arith.constant 0 : index
    %swap3A_76 = vector.load %arg14[%swap3A, %swap3A_75] : memref<8x128xf32, #tpu.memory_space<vmem>>, vector<2x128xf32>
    tpu.vector_store %arg14[%swap3A, %swap3A_75], %add3A_74 {strides = array<i32>} : memref<8x128xf32, #tpu.memory_space<vmem>>, vector<2x128xf32>,
    %eq3A_77 = arith.constant 4 : i32
    %eq3A_78 = arith.cmpi eq, %arg0, %eq3A_77 : i32
    %convert_element_type3A_79 = arith.extui %eq3A_78 : i1 to i32
    %cond3A_80 = arith.constant 0 : i32
    %cond3A_81 = arith.cmpi ne, %convert_element_type3A_79, %cond3A_80 : i32
    scf.if %cond3A_81 {
      %get3A_82 = arith.constant 0 : index
      %get3A_83 = arith.constant 0 : index
      %get3A_84 = vector.load %arg14[%get3A_82, %get3A_83] : memref<8x128xf32, #tpu.memory_space<vmem>>, vector<1x128xf32>
      %get3A_85 = arith.constant 1 : index
      %get3A_86 = arith.constant 0 : index
      %get3A_87 = vector.load %arg14[%get3A_85, %get3A_86] : memref<8x128xf32, #tpu.memory_space<vmem>>, vector<1x128xf32>
      %get3A_88 = arith.constant 0 : index
      %get3A_89 = arith.constant 0 : index
      %get3A_90 = vector.load %arg8[%get3A_88, %get3A_89] : memref<128x128xf32, #tpu.memory_space<vmem>>, vector<128x128xf32>
      %dot_general3A_91 = arith.constant dense<0.000000e+00> : vector<1x128xf32>
      %dot_general3A_92 = tpu.matmul %get3A_84, %get3A_90, %dot_general3A_91 {dimension_numbers = #tpu.dot_dimension_numbers<[1], [0], [0], [1], [0, 0, 1, 1], [], []>, transpose_lhs_hint = false} : vector<1x128xf32>, vector<128x128xf32>, vector<1x128xf32> -> vector<1x128xf32>
      %get3A_93 = arith.constant 0 : index
      %get3A_94 = arith.constant 0 : index
      %get3A_95 = vector.load %arg9[%get3A_93, %get3A_94] : memref<128x128xf32, #tpu.memory_space<vmem>>, vector<128x128xf32>
      %dot_general3A_96 = arith.constant dense<0.000000e+00> : vector<1x128xf32>
      %dot_general3A_97 = tpu.matmul %get3A_87, %get3A_95, %dot_general3A_96 {dimension_numbers = #tpu.dot_dimension_numbers<[1], [0], [0], [1], [0, 0, 1, 1], [], []>, transpose_lhs_hint = false} : vector<1x128xf32>, vector<128x128xf32>, vector<1x128xf32> -> vector<1x128xf32>
      %add3A_98 = arith.addf %dot_general3A_92, %dot_general3A_97 : vector<1x128xf32>
      %get3A_99 = arith.constant 0 : index
      %get3A_100 = arith.constant 0 : index
      %get3A_101 = vector.load %arg11[%get3A_99, %get3A_100] : memref<1x128xf32, #tpu.memory_space<vmem>>, vector<1x128xf32>
      %add3A_102 = arith.addf %add3A_98, %get3A_101 : vector<1x128xf32>
      %max3A_103 = arith.constant 0.000000e+00 : f32
      %max3A_104 = vector.broadcast %max3A_103 : f32 to vector<1x128xf32>
      %max3A_105 = arith.maximumf %add3A_102, %max3A_104 : vector<1x128xf32>
      %get3A_106 = arith.constant 0 : index
      %get3A_107 = arith.constant 0 : index
      %get3A_108 = vector.load %arg10[%get3A_106, %get3A_107] : memref<128x128xf32, #tpu.memory_space<vmem>>, vector<128x128xf32>
      %dot_general3A_109 = arith.constant dense<0.000000e+00> : vector<1x128xf32>
      %dot_general3A_110 = tpu.matmul %max3A_105, %get3A_108, %dot_general3A_109 {dimension_numbers = #tpu.dot_dimension_numbers<[1], [0], [0], [1], [0, 0, 1, 1], [], []>, transpose_lhs_hint = false} : vector<1x128xf32>, vector<128x128xf32>, vector<1x128xf32> -> vector<1x128xf32>
      %get3A_111 = arith.constant 0 : index
      %get3A_112 = arith.constant 0 : index
      %get3A_113 = vector.load %arg12[%get3A_111, %get3A_112] : memref<1x128xf32, #tpu.memory_space<vmem>>, vector<1x128xf32>
      %add3A_114 = arith.addf %dot_general3A_110, %get3A_113 : vector<1x128xf32>
      %swap3A_115 = arith.constant 0 : index
      %swap3A_116 = arith.constant 0 : index
      %swap3A_117 = vector.load %arg13[%swap3A_115, %swap3A_116] : memref<1x128xf32, #tpu.memory_space<vmem>>, vector<1x128xf32>
      tpu.vector_store %arg13[%swap3A_115, %swap3A_116], %add3A_114 {strides = array<i32>} : memref<1x128xf32, #tpu.memory_space<vmem>>, vector<1x128xf32>,
    } else {
    }
    return
  }
  func.func @transform_0(%arg0: i32) -> (i32, i32, i32) {
    %c0_i32 = arith.constant 0 : i32
    %c0_i32_0 = arith.constant 0 : i32
    %c0_i32_1 = arith.constant 0 : i32
    return %c0_i32, %arg0, %c0_i32_0 : i32, i32, i32
  }
  func.func @transform_1(%arg0: i32) -> (i32, i32, i32) {
    %c0_i32 = arith.constant 0 : i32
    %c0_i32_0 = arith.constant 0 : i32
    %c0_i32_1 = arith.constant 0 : i32
    return %c0_i32, %arg0, %c0_i32_0 : i32, i32, i32
  }
  func.func @transform_2(%arg0: i32) -> (i32, i32) {
    %c0_i32 = arith.constant 0 : i32
    %c0_i32_0 = arith.constant 0 : i32
    return %arg0, %c0_i32 : i32, i32
  }
  func.func @transform_3(%arg0: i32) -> (i32, i32, i32) {
    %c0_i32 = arith.constant 0 : i32
    %c0_i32_0 = arith.constant 0 : i32
    %c0_i32_1 = arith.constant 0 : i32
    return %c0_i32, %arg0, %c0_i32_0 : i32, i32, i32
  }
  func.func @transform_4(%arg0: i32) -> (i32, i32) {
    %c0_i32 = arith.constant 0 : i32
    %c0_i32_0 = arith.constant 0 : i32
    %c0_i32_1 = arith.constant 0 : i32
    return %c0_i32, %c0_i32_0 : i32, i32
  }
  func.func @transform_5(%arg0: i32) -> (i32, i32) {
    %c0_i32 = arith.constant 0 : i32
    %c0_i32_0 = arith.constant 0 : i32
    %c0_i32_1 = arith.constant 0 : i32
    return %c0_i32, %c0_i32_0 : i32, i32
  }
  func.func @transform_6(%arg0: i32) -> (i32, i32) {
    %c0_i32 = arith.constant 0 : i32
    %c0_i32_0 = arith.constant 0 : i32
    %c0_i32_1 = arith.constant 0 : i32
    return %c0_i32, %c0_i32_0 : i32, i32
  }
  func.func @transform_7(%arg0: i32) -> (i32, i32) {
    %c0_i32 = arith.constant 0 : i32
    %c0_i32_0 = arith.constant 0 : i32
    %c0_i32_1 = arith.constant 0 : i32
    return %c0_i32, %c0_i32_0 : i32, i32
  }
  func.func @transform_8(%arg0: i32) -> (i32, i32) {
    %c0_i32 = arith.constant 0 : i32
    %c0_i32_0 = arith.constant 0 : i32
    %c0_i32_1 = arith.constant 0 : i32
    return %c0_i32, %c0_i32_0 : i32, i32
  }
  func.func @transform_9(%arg0: i32) -> (i32, i32) {
    %c0_i32 = arith.constant 0 : i32
    %c0_i32_0 = arith.constant 0 : i32
    %c0_i32_1 = arith.constant 0 : i32
    return %c0_i32, %c0_i32_0 : i32, i32
  }
  func.func @transform_10(%arg0: i32) -> (i32, i32) {
    %c0_i32 = arith.constant 0 : i32
    %c0_i32_0 = arith.constant 0 : i32
    %c0_i32_1 = arith.constant 0 : i32
    return %c0_i32, %c0_i32_0 : i32, i32
  }
  func.func @transform_11(%arg0: i32) -> (i32, i32) {
    %c0_i32 = arith.constant 0 : i32
    %c0_i32_0 = arith.constant 0 : i32
    %c0_i32_1 = arith.constant 0 : i32
    return %c0_i32, %c0_i32_0 : i32, i32
  }
  func.func @transform_12(%arg0: i32) -> (i32, i32) {
    %c0_i32 = arith.constant 0 : i32
    %c0_i32_0 = arith.constant 0 : i32
    %c0_i32_1 = arith.constant 0 : i32
    return %c0_i32, %c0_i32_0 : i32, i32
  }
}

</mosaic_0001>

<sc_bundles>
// kernel: kernel.5.cloned.1.call-start
scs
__scs_entry_jumppad:
0x0: {  	(pc) =	sbr.rel $0x88, $3  }
0x1: {  	(tag) =	ssettag $0x0;
	lr =	simm.s32 $0x1  }
0x2: {  	[smem:$0x3F97] =	sst lr;
	_ =	strace $0xD0000000  }
0x3: {  	_ = 	snop  }
0x4: {  	_ = 	snop  }
0x5: {  	_ = 	snop  }
0x6: {  	_ = 	snop  }
0x7: {  	_ = 	snop  }
__scs_overlays_trampoline_lowered:
0x8: {  	[smem:$0x3FA6] =	sst s0  }
0x9: {  	[smem:$0x3FA7] =	sst s1  }
0xa: {  	[smem:$0x3FA8] =	sst s2  }
0xb: {  	[smem:$0x3FA9] =	sst s3  }
0xc: {  	[smem:$0x3FAA] =	sst s4  }
0xd: {  	[smem:$0x3FAB] =	sst s5  }
0xe: {  	[smem:$0x3FAC] =	sst s6  }
0xf: {  	[smem:$0x3FAD] =	sst s7  }
0x10: {  	[smem:$0x3FAE] =	sst s8  }
0x11: {  	[smem:$0x3FAF] =	sst s9;
	s0 =	simm.s32 @!p0 $0x0  }
0x12: {  	s1 =	sld [smem:$0x3F95];
	s0 =	simm.s32 @p0 $0x1  }
0x13: {  	[smem:$0x3FB0] =	sst s0;
	s0 =	simm.s32 @!p1 $0x0  }
0x14: {  	s2 =	sld [smem:$0x3F94];
	s0 =	simm.s32 @p1 $0x1  }
0x15: {  	[smem:$0x3FB1] =	sst s0;
	s0 =	simm.s32 @!p2 $0x0  }
0x16: {  	s3 =	sld [smem:$0x3FDB];
	s0 =	simm.s32 @p2 $0x1  }
0x17: {  	s4 =	simm.s32 $0x1BF5;
	[smem:$0x3FB3] =	sst s0  }
0x18: {  	s0 =	sld [smem:$0x3F96];
	_ =	swait.ge [sflag:s4], $0x0  }
0x19: {  	s7 =	sld [smem:$0x3F97]  }
0x1a: {  	s8 =	sadd.s32 $0xFFFFE003, lr  }
0x1b: {  	s9 =	sadd.s32 $0xFFFFFEF7, lr;
	s5 =	simm.s32 $0xFFFFFFFF;
	p2 =	slt.u32 s8, $0xFFFFF086  }
0x1c: {  	p1 =	slt.u32 s9, $0xF7A;
	s5 =	simm.s32 @!p2 $0x0  }
0x1d: {  	s5 =	simm.s32 @p1 $0x1;
	p0 =	seq.s32 s7, s2  }
0x1e: {  	s7 =	smul.u32 @!p0 $0xF7A, s2;
	p2 =	seq.s32 @!p0 s5, $0x0  }
0x1f: {  	s9 =	smul.u32 $0xF7A, s1;
	s8 =	simm.s32 @!p0 $0x1BF5;
	p2 =	por !p2, p0  }
0x20: {  	[sflag:s8] =	ssyncset.s32 @!p0 $0xFFFFF086;
	s6 =	sadd.s32 @!p0 s3, s7;
	s7 =	simm.s32 @!p0 $0x108  }
0x21: {  	s3 =	sadd.s32 s3, s9;
	s6 =	sadd.s32 @!p0 $0x88, s6;
	s7 =	simm.s32 @p2 $0x1082  }
0x22: {  	[simem:s7], [sflag:s8] =	dma.local @!p0 [hbm:s6], $0xF7A  }
0x23: {  	s9 =	sor.u32 $0xD0000000, s2;
	s6 =	simm.s32 $0x108;
	_ =	swait.ge @!p0 [sflag:s8], $0x0  }
0x24: {  	s3 =	sadd.s32 $0x88, s3;
	s6 =	simm.s32 @!p1 $0x1082;
	[sflag:s4] =	ssyncset.s32 $0xFFFFF086  }
0x25: {  	[simem:s6], [sflag:s4] =	dma.local [hbm:s3], $0xF7A  }
0x26: {  	[smem:$0x3F97] =	sst s1;
	(tag) =	ssettag s2;
	_ =	strace s9  }
0x27: {  	s1 =	sld [smem:$0x3FA7]  }
0x28: {  	s2 =	sld [smem:$0x3FA8]  }
0x29: {  	s4 =	sld [smem:$0x3FAA]  }
0x2a: {  	p0 =	seq.s32 s5, $0x0;
	s5 =	sld [smem:$0x3FAB]  }
0x2b: {  	s6 =	sld [smem:$0x3FAC]  }
0x2c: {  	s7 =	sld [smem:$0x3FAD]  }
0x2d: {  	s3 =	simm.s32 $0x108;
	s8 =	sld [smem:$0x3FAE]  }
0x2e: {  	s3 =	simm.s32 @!p0 $0x1082;
	s9 =	sld [smem:$0x3FAF]  }
0x2f: {  	lr =	sadd.s32 s0, s3;
	s0 =	sld [smem:$0x3FA6]  }
0x30: {  	s3 =	sld [smem:$0x3FA9]  }
0x31: {  	[smem:$0x3FB2] =	sst s10  }
0x32: {  	s10 =	sld [smem:$0x3FB0];
	_ =	sdelay $0x3  }
0x33: {  	p0 =	seq.s32 s10, $0x1;
	s10 =	sld [smem:$0x3FB2];
	_ =	sdelay $0x3  }
0x34: {  	[smem:$0x3FB2] =	sst s10  }
0x35: {  	s10 =	sld [smem:$0x3FB1];
	_ =	sdelay $0x3  }
0x36: {  	p1 =	seq.s32 s10, $0x1;
	s10 =	sld [smem:$0x3FB2];
	_ =	sdelay $0x3  }
0x37: {  	[smem:$0x3FB2] =	sst s10  }
0x38: {  	s10 =	sld [smem:$0x3FB3]  }
0x39: {  	_ = 	snop;
	(pc) =	sbr.ind lr, $3  }
0x3a: {  	_ = 	snop  }
0x3b: {  	_ = 	snop  }
0x3c: {  	p2 =	seq.s32 s10, $0x1;
	s10 =	sld [smem:$0x3FB2]  }
0x3d: {  	_ =	shalt  }
0x3e: {  	_ =	shalt  }
0x3f: {  	_ =	shalt  }
0x40: {  	_ =	shalt  }
0x41: {  	_ =	shalt  }
0x42: {  	_ =	shalt  }
0x43: {  	_ =	shalt  }
0x44: {  	_ =	shalt  }
0x45: {  	_ =	shalt  }
0x46: {  	_ =	shalt  }
0x47: {  	_ =	shalt  }
0x48: {  	_ =	shalt  }
0x49: {  	_ =	shalt  }
0x4a: {  	_ =	shalt  }
0x4b: {  	_ =	shalt  }
0x4c: {  	_ =	shalt  }
0x4d: {  	_ =	shalt  }
0x4e: {  	_ =	shalt  }
0x4f: {  	_ =	shalt  }
0x50: {  	_ =	shalt  }
0x51: {  	_ =	shalt  }
0x52: {  	_ =	shalt  }
0x53: {  	_ =	shalt  }
0x54: {  	_ =	shalt  }
0x55: {  	_ =	shalt  }
0x56: {  	_ =	shalt  }
0x57: {  	_ =	shalt  }
0x58: {  	_ =	shalt  }
0x59: {  	_ =	shalt  }
0x5a: {  	_ =	shalt  }
0x5b: {  	_ =	shalt  }
0x5c: {  	_ =	shalt  }
0x5d: {  	_ =	shalt  }
0x5e: {  	_ =	shalt  }
0x5f: {  	_ =	shalt  }
0x60: {  	_ =	shalt  }
0x61: {  	_ =	shalt  }
0x62: {  	_ =	shalt  }
0x63: {  	_ =	shalt  }
0x64: {  	_ =	shalt  }
0x65: {  	_ =	shalt  }
0x66: {  	_ =	shalt  }
0x67: {  	_ =	shalt  }
0x68: {  	_ =	shalt  }
0x69: {  	_ =	shalt  }
0x6a: {  	_ =	shalt  }
0x6b: {  	_ =	shalt  }
0x6c: {  	_ =	shalt  }
0x6d: {  	_ =	shalt  }
0x6e: {  	_ =	shalt  }
0x6f: {  	_ =	shalt  }
0x70: {  	_ =	shalt  }
0x71: {  	_ =	shalt  }
0x72: {  	_ =	shalt  }
0x73: {  	_ =	shalt  }
0x74: {  	_ =	shalt  }
0x75: {  	_ =	shalt  }
0x76: {  	_ =	shalt  }
0x77: {  	_ =	shalt  }
0x78: {  	_ =	shalt  }
0x79: {  	_ =	shalt  }
0x7a: {  	_ =	shalt  }
0x7b: {  	_ =	shalt  }
0x7c: {  	_ =	shalt  }
0x7d: {  	_ =	shalt  }
0x7e: {  	_ =	shalt  }
0x7f: {  	_ =	shalt  }
0x80: {  	_ =	shalt  }
0x81: {  	_ =	shalt  }
0x82: {  	_ =	shalt  }
0x83: {  	_ =	shalt  }
0x84: {  	_ =	shalt  }
0x85: {  	_ =	shalt  }
0x86: {  	_ =	shalt  }
0x87: {  	_ =	shalt  }
.Lfunc_end0:
.L_simem_size_0:
called_computation_lowered:
.L_overlay_start_0:
0x88: {  	s2 =	sld [smem:$0x3FD9]  }
0x89: {  	s3 =	sld [smem:$0x3FFE];
	_ =	sdelay $0x1  }
0x8a: {  	s1 =	srdreg.scid  }
0x8b: {  	s0 =	sand.u32 $0x1, s1  }
0x8c: {  	s16 =	sshll.u32 s0, $0xA;
	s2 =	sadd.s32 s3, s2  }
0x8d: {  	s2 =	sadd.s32 s2, s16  }
0x8e: {  	[smem:$0x3FBE] =	sst s2  }
0x8f: {  	_ = 	snop  }
0x90: {  	(tm) =	ssettm $0x1  }
0x91: {  	s17 =	sld [smem:$0x3FFB];
	_ =	sdelay $0x3  }
0x92: {  	_ =	strace s17  }
0x93: {  	s2 =	sld [smem:$0x3FFC];
	_ =	sdelay $0x3  }
0x94: {  	_ =	strace s2  }
0x95: {  	s2 =	sld [smem:$0x3FFD];
	_ =	sdelay $0x3  }
0x96: {  	_ =	strace s2  }
0x97: {  	_ =	strace $0x8FFFFFFF  }
0x98: {  	s18 =	sld [smem:$0x3FDB];
	_ =	sdelay $0x1  }
0x99: {  	s19 =	simm.s32 $_scs_section_size  }
0x9a: {  	s4 =	simm.s32 $_size__tile_overlayer_lowered;
	s5 =	simm.s32 $_tile_overlayer_lowered  }
0x9b: {  	s22 =	simm.s32 $0x1BFF;
	s21 =	sshll.u32 s5, $0x1;
	s2 =	sadd.s32 s19, s18  }
0x9c: {  	s6 =	simm.s32 $0x0;
	s20 =	sshll.u32 s4, $0x1;
	s4 =	sadd.s32 s21, s2  }
0x9d: {  	[timem:s6], [sflag:s22] =	dma.local [hbm:s4], s20  }
0x9e: {  	_ =	swait.ge [sflag:s22], s20  }
0x9f: {  	s3 =	ssub.s32 $0x0, s20;
	[sflag:s22] =	ssyncset.done $0x0  }
0xa0: {  	[sflag:s22] =	ssyncadd.s32 s3;
	_ =	sdelay $0x1  }
0xa1: {  	s23 =	simm.s32 $0x1B8B  }
0xa2: {  	_ =	swait.ge [sflag:s23], $0x1  }
0xa3: {  	[sflag:s23] =	ssyncset.done $0x0  }
0xa4: {  	s25 =	simm.s32 $0x1B8E;
	s24 =	sld [smem:$0x3FFE];
	[sflag:s23] =	ssyncadd.s32 $0xFFFFFFFF  }
0xa5: {  	s26 =	simm.s32 $execute0_lowered;
	[smem:$0x3FD2] =	sst s25  }
0xa6: {  	s4 =	sshll.u32 s26, $0x1;
	_ =	strace $0x80000046;
	[dreg:$0x1] =	wrdreg $0xFFFFFFFF  }
0xa7: {  	s28 =	simm.s32 $_size_execute0_lowered;
	s2 =	sadd.s32 s2, s4;
	[dreg:$0x0] =	wrdreg $0x0  }
0xa8: {  	s4 =	sshll.u32 s28, $0x1;
	[dreg:$0x2] =	wrdreg s2  }
0xa9: {  	[dreg:$0x3] =	wrdreg s4  }
0xaa: {  	[dreg:$0x4] =	wrdreg $0xC0  }
0xab: {  	_ =	task [dreg:s6], $0x5FFFF  }
0xac: {  	[dreg:$0x1] =	wrdreg $0xFFFFFFFF  }
0xad: {  	[dreg:$0x0] =	wrdreg $0x60  }
0xae: {  	[dreg:$0x2] =	wrdreg s24  }
0xaf: {  	[dreg:$0x3] =	wrdreg $0x13A800  }
0xb0: {  	[dreg:$0x4] =	wrdreg $0x1DA800  }
0xb1: {  	[dreg:$0x5] =	wrdreg $0x9  }
0xb2: {  	_ =	task.clear_ibuf [dreg:s6], $0x6FFFF;
	_ =	strace $0x90000046  }
0xb3: {  	s29 =	simm.s32 $0x9;
	_ =	strace $0x80000048  }
0xb4: {  	_ =	swait.ge [sflag:s29], $0x1  }
0xb5: {  	[sflag:s29] =	ssyncadd.s32 $0xFFFFFFFF  }
0xb6: {  	_ =	strace $0x90000048  }
0xb7: {  	_ =	sfence  }
0xb8: {  	s30 =	sld [smem:$0x0];
	_ =	sdelay $0x2  }
0xb9: {  	s31 =	sshll.u32 s1, $0xD;
	s1 =	sshrl.u32 s1, $0x2  }
0xba: {  	s3 =	sand.u32 $0x4000, s31;
	s1 =	sadd.s32 s1, s30  }
0xbb: {  	s0 =	sor.u32 s3, s0;
	s1 =	sshll.u32 s1, $0x11  }
0xbc: {  	s0 =	sor.u32 s1, s0  }
0xbd: {  	s0 =	sadd.s32 $0x8F2B, s0  }
0xbe: {  	[sflag:s0] =	ssyncadd.remote.s32 $0x1  }
0xbf: {  	_ =	sfence.sel $0xFFFF  }
0xc0: {  	[dreg:$0x0] =	wrdreg $0xFFFFFFFF;
	(pc) =	sbr.abs _section_cstart, $3  }
0xc1: {  	[dreg:$0x1] =	wrdreg $0xFFFFFFFF  }
0xc2: {  	_ =	task.clear_ibuf [dreg:s6], $0x2FFFF;
	_ =	strace $0x9FFFFFFF  }
0xc3: {  	(tm) =	ssettm $0x7FFFFFFF  }
tec
execute0_lowered:
.L_overlay_start_1:
0x0: {  	(tag) =	ssettag $0x1  }
0x1: {  	s0 =	rddreg [dreg:$0x0]  }
0x2: {  	s2 =	rddreg [dreg:$0x1]  }
0x3: {  	s3 =	rddreg [dreg:$0x2];
	s16 =	stileid.u32  }
0x4: {  	s4 =	simm.s32 $0x0;
	s5 =	srdreg.scid;
	s18 =	simm.s32 $0x5  }
0x5: {  	s29 =	simm.s32 $0xE000;
	s30 =	simm.s32 $0x1;
	s31 =	simm.s32 $0x10000  }
0x6: {  	s28 =	simm.s32 $0x4F80;
	s1 =	smul.u32 $0xA00, s16;
	[smem:$0x7FF] =	sst s4  }
0x7: {  	s7 =	sand.u32 $0x1, s5;
	s8 =	smul.u32 $0xA000, s16;
	s5 =	sadd.s32 $0x2000, s0  }
0x8: {  	s6 =	sadd.s32 $0x15A00, s0;
	s11 =	smul.u32 $0x1400, s16;
	s10 =	sadd.s32 $0x3D600, s0  }
0x9: {  	s12 =	sadd.s32 $0x3EA00, s0;
	_ =	strace $0x80000047;
	[dreg:$0x4] =	wrdreg s10  }
0xa: {  	s20 =	sadd.s32 $0x29400, s0;
	s9 =	smul.u32 $0xA0000, s7;
	[dreg:$0x5] =	wrdreg s12  }
0xb: {  	s25 =	sshll.u32 s16, $0x6;
	s19 =	smul.u32 $0x14000, s7;
	[dreg:$0x6] =	wrdreg s20  }
0xc: {  	s10 =	smul.u32 $0x280, s16;
	s13 =	ssub.s32 $0x2, s7;
	p0 =	sne.s32 s7, $0x0  }
0xd: {  	s20 =	simm.s32 $0x12000;
	s16 =	simm.s32 $0x12400;
	s1 =	sadd.s32 s1, s0  }
0xe: {  	s14 =	sshrl.u32 s13, $0x1;
	s23 =	sadd.s32 s8, s2;
	s24 =	sadd.s32 s11, s3  }
0xf: {  	s9 =	sadd.s32 s8, s9;
	s21 =	sadd.s32 s11, s19;
	s22 =	sshrl.u32 s10, $0x3  }
0x10: {  	s13 =	ssub.s32 s13, s14;
	s14 =	sadd.s32 $0x33600, s1;
	s26 =	sshrl.u32 s23, $0x3  }
0x11: {  	[dreg:$0x7] =	wrdreg s24;
	s23 =	sshrl.u32 s24, $0x3;
	s24 =	simm.s32 $0x80  }
0x12: {  	s19 =	simm.s32 $0x4;
	s9 =	sshrl.u32 s9, $0x3;
	s12 =	sshrl.u32 s21, $0x3  }
0x13: {  	s17 =	smax.u32 s13, $0x1;
	s21 =	sor.u32 $0x1C05, s25;
	[dreg:$0x9] =	wrdreg s26  }
.Ltmp0:
0x14: {  	s25 =	simm.s32 $0xA000;
	s26 =	simm.s32 $0xC000;
	(pc) =	sbr.rel .LBB2_1-.Ltmp0, $4  }
0x15: {  	s13 =	simm.s32 $0x0;
	s9 =	sadd.s32 s9, s0;
	s15 =	sadd.s32 s12, s0  }
0x16: {  	s0 =	sadd.s32 s22, s0;
	s12 =	sadd.s32 $0x29600, s1;
	s22 =	simm.s32 $0x5000  }
0x17: {  	v0 =	vlaneseq.u32;
	s1 =	simm.s32 $0x3;
	s11 =	sadd.s32 $0x3EE00, s9;
	s0 =	sadd.s32 $0x6BE00, s0  }
0x18: {  	v0 =	vmul.u32 $0x8, v0;
	s15 =	sadd.s32 $0x66E00, s15;
	[dreg:$0x8] =	wrdreg s0;
	s0 =	simm.s32 $0x2  }
.LBB2_11:
0x19: {  	v1 =	vshll.u32 v1, $0x3  }
0x1a: {  	v1 =	vor.u32 v0, v1  }
0x1b: {  	s7 =	sadd.s32 s10, s7  }
0x1c: {  	v2 =	vpop (erf);
	p1 =	slt.u32 s7, $0x2710  }
0x1d: {  	s12 =	sadd.s32 $0x10, s9;
	v2 =	vpsel !p1, $0x0, v2  }
0x1e: {  	[tilespmem:s12+$0x0] =	vst v2  }
0x1f: {  	v1 =	vld.idx.msk [tilespmem:v1+s16+$0x0], $0xffff;
	_ =	sdelay $0x4  }
0x20: {  	v1 =	vmax.f32 v1, $1.000000000e+00  }
0x21: {  	(erf) = vrcp.f32 v1;
	_ =	sdelay $0x7  }
0x22: {  	s8 =	sadd.s32 s10, s8  }
0x23: {  	p6 =	slt.u32 s8, $0x2710;
	v1 =	vpop (erf)  }
0x24: {  	s7 =	sadd.s32 $0x10, s12;
	v1 =	vpsel !p6, $0x0, v1  }
0x25: {  	s9 =	simm.s32 $0x0;
	s11 =	rddreg [dreg:$0x8];
	s12 =	simm.s32 $0x13800;
	[tilespmem:s7+$0x0] =	vst v1  }
0x26: {  	[hbm4b:s11+s9] =	stream.linear.scatter [tilespmem:s12], [sflag:$0x5], $0x280, $0x38;
	[tilespmem:$0x1EE80] =	vst v63  }
0x27: {  	s12 =	smov.u32 s14;
	s14 =	smov.u32 s15;
	_ =	swait.ge [sflag:s18], $0x280  }
0x28: {  	s11 =	smov.u32 s17;
	s15 =	smov.u32 s4;
	[sflag:s18] =	ssyncset.done $0x0  }
0x29: {  	s17 =	smov.u32 s22;
	s22 =	simm.s32 $0x5000;
	[sflag:s18] =	ssyncadd.s32 $0xFFFFFD80  }
.LBB2_12:
0x2a: {  	s13 =	sadd.s32 $0x1, s13  }
0x2b: {  	p1 =	sne.s32 s13, s17  }
.Ltmp1:
0x2c: {  	_ = 	snop;
	(pc) =	sbr.rel @!p1 .LBB2_13-.Ltmp1, $1  }
0x2d: {  	_ =	sdelay $0x3  }
.LBB2_1:
0x2e: {  	s4 =	simm.s32 $0x0  }
0x2f: {  	[tilespmem:s4], [sflag:$0x5] =	stream.linear.gather [hbm4b:s12+s4], $0x5000, $0x38;
	[tilespmem:$0x1EE80] =	vst v63  }
0x30: {  	_ =	swait.ge [sflag:s18], $0x5000  }
0x31: {  	[sflag:s18] =	ssyncset.done $0x0  }
0x32: {  	[sflag:s18] =	ssyncadd.s32 $0xFFFFB000  }
0x33: {  	[tilespmem:s22], [sflag:$0x5] =	stream.linear.gather [hbm4b:s14+s4], $0x5000, $0x38;
	[tilespmem:$0x1EE80] =	vst v63  }
0x34: {  	_ =	swait.ge [sflag:s18], $0x5000  }
0x35: {  	[sflag:s18] =	ssyncset.done $0x0  }
0x36: {  	s7 =	rddreg [dreg:$0x6];
	[sflag:s18] =	ssyncadd.s32 $0xFFFFB000  }
0x37: {  	[tilespmem:s20], [sflag:$0x5] =	stream.linear.gather [hbm4b:s7+s4], $0x400, $0x38;
	[tilespmem:$0x1EE80] =	vst v63  }
0x38: {  	_ =	swait.ge [sflag:s18], $0x400  }
0x39: {  	[sflag:s18] =	ssyncset.done $0x0;
	s4 =	rddreg [dreg:$0x4]  }
0x3a: {  	s8 =	rddreg [dreg:$0x9];
	[sflag:s18] =	ssyncadd.s32 $0xFFFFFC00  }
0x3b: {  	[spmem:s8], [sflag:s21] =	dma.local [hbm:s4], $0x1400  }
0x3c: {  	_ =	swait.ge [sflag:s18], $0x1400  }
0x3d: {  	[sflag:s18] =	ssyncset.done $0x0  }
0x3e: {  	s9 =	rddreg [dreg:$0x5];
	[sflag:s18] =	ssyncadd.s32 $0xFFFFEC00  }
0x3f: {  	[spmem:s23], [sflag:s21] =	dma.local [hbm:s9], $0x280  }
.Ltmp2:
0x40: {  	_ =	swait.ge [sflag:s18], $0x280;
	(pc) =	sbr.rel @p0 .LBB2_5-.Ltmp2, $4  }
0x41: {  	[sflag:s18] =	ssyncset.done $0x0  }
0x42: {  	[sflag:s18] =	ssyncadd.s32 $0xFFFFFD80  }
0x43: {  	[bflag:$0x0] =	sbarrier.arrive $0xFFFF  }
0x44: {  	s7 =	simm.s32 $0x0  }
0x45: {  	[tilespmem:s25], [sflag:$0x1] =	stream.indirect.gather [hbm4b:s5+s24], $0x40, s7, s24, $0xb8;
	[tilespmem:$0x1EE80] =	vst v63  }
0x46: {  	_ = 	snop  }
0x47: {  	[tilespmem:s26], [sflag:$0x2] =	stream.indirect.gather [hbm4b:s5+s24], $0x40, s24, s24, $0xb8;
	[tilespmem:$0x1EE80] =	vst v63  }
0x48: {  	s4 =	simm.s32 $0x100  }
0x49: {  	[tilespmem:s29], [sflag:$0x3] =	stream.indirect.gather [hbm4b:s5+s24], $0x40, s4, s24, $0xb8;
	[tilespmem:$0x1EE80] =	vst v63  }
0x4a: {  	_ =	swait.ge [sflag:s30], $0x2000  }
0x4b: {  	[sflag:s30] =	ssyncset.done $0x0  }
0x4c: {  	s8 =	simm.s32 $0x180;
	[sflag:s30] =	ssyncadd.s32 $0xFFFFE000  }
0x4d: {  	[tilespmem:s31], [sflag:$0x4] =	stream.indirect.gather [hbm4b:s5+s24], $0x40, s8, s24, $0xb8;
	[tilespmem:$0x1EE80] =	vst v63  }
0x4e: {  	s9 =	simm.s32 $0x5000  }
0x4f: {  	[spmem:s2] =	stream.indirect.scatter.add.f32 [tilespmem:s25], [sflag:$0x5], $0x40, s9, s24, $0xb8;
	[tilespmem:$0x1EE80] =	vst v63  }
0x50: {  	_ =	swait.ge [sflag:s18], $0x2000  }
0x51: {  	[sflag:s18] =	ssyncset.done $0x0  }
0x52: {  	[sflag:s18] =	ssyncadd.s32 $0xFFFFE000  }
0x53: {  	[spmem:s3] =	stream.indirect.scatter.add.f32 [tilespmem:s20], [sflag:$0x5], $0x8, s9, s24, $0xb8;
	[tilespmem:$0x1EE80] =	vst v63  }
0x54: {  	_ =	swait.ge [sflag:s18], $0x400  }
0x55: {  	[sflag:s18] =	ssyncset.done $0x0  }
0x56: {  	[sflag:s18] =	ssyncadd.s32 $0xFFFFFC00  }
0x57: {  	_ =	swait.ge [sflag:s0], $0x2000  }
0x58: {  	[sflag:s0] =	ssyncset.done $0x0  }
0x59: {  	s4 =	simm.s32 $0x200;
	[sflag:s0] =	ssyncadd.s32 $0xFFFFE000  }
0x5a: {  	[tilespmem:s25], [sflag:$0x1] =	stream.indirect.gather [hbm4b:s5+s24], $0x40, s4, s24, $0xb8;
	[tilespmem:$0x1EE80] =	vst v63  }
0x5b: {  	s8 =	simm.s32 $0x5080  }
0x5c: {  	[spmem:s2] =	stream.indirect.scatter.add.f32 [tilespmem:s26], [sflag:$0x5], $0x40, s8, s24, $0xb8;
	[tilespmem:$0x1EE80] =	vst v63  }
0x5d: {  	_ =	swait.ge [sflag:s18], $0x2000  }
0x5e: {  	[sflag:s18] =	ssyncset.done $0x0  }
0x5f: {  	[sflag:s18] =	ssyncadd.s32 $0xFFFFE000  }
0x60: {  	[spmem:s3] =	stream.indirect.scatter.add.f32 [tilespmem:s20], [sflag:$0x5], $0x8, s8, s24, $0xb8;
	[tilespmem:$0x1EE80] =	vst v63  }
0x61: {  	_ =	swait.ge [sflag:s18], $0x400  }
0x62: {  	[sflag:s18] =	ssyncset.done $0x0  }
0x63: {  	[sflag:s18] =	ssyncadd.s32 $0xFFFFFC00  }
0x64: {  	_ =	swait.ge [sflag:s1], $0x2000  }
0x65: {  	[sflag:s1] =	ssyncset.done $0x0  }
0x66: {  	s9 =	simm.s32 $0x280;
	[sflag:s1] =	ssyncadd.s32 $0xFFFFE000  }
0x67: {  	[tilespmem:s26], [sflag:$0x2] =	stream.indirect.gather [hbm4b:s5+s24], $0x40, s9, s24, $0xb8;
	[tilespmem:$0x1EE80] =	vst v63  }
0x68: {  	s4 =	simm.s32 $0x5100  }
0x69: {  	[spmem:s2] =	stream.indirect.scatter.add.f32 [tilespmem:s29], [sflag:$0x5], $0x40, s4, s24, $0xb8;
	[tilespmem:$0x1EE80] =	vst v63  }
0x6a: {  	_ =	swait.ge [sflag:s18], $0x2000  }
0x6b: {  	[sflag:s18] =	ssyncset.done $0x0  }
0x6c: {  	[sflag:s18] =	ssyncadd.s32 $0xFFFFE000  }
0x6d: {  	[spmem:s3] =	stream.indirect.scatter.add.f32 [tilespmem:s20], [sflag:$0x5], $0x8, s4, s24, $0xb8;
	[tilespmem:$0x1EE80] =	vst v63  }
0x6e: {  	_ =	swait.ge [sflag:s18], $0x400  }
0x6f: {  	[sflag:s18] =	ssyncset.done $0x0  }
0x70: {  	[sflag:s18] =	ssyncadd.s32 $0xFFFFFC00  }
0x71: {  	_ =	swait.ge [sflag:s19], $0x2000  }
0x72: {  	[sflag:s19] =	ssyncset.done $0x0  }
0x73: {  	s8 =	simm.s32 $0x300;
	[sflag:s19] =	ssyncadd.s32 $0xFFFFE000  }
0x74: {  	[tilespmem:s29], [sflag:$0x3] =	stream.indirect.gather [hbm4b:s5+s24], $0x40, s8, s24, $0xb8;
	[tilespmem:$0x1EE80] =	vst v63  }
0x75: {  	s9 =	simm.s32 $0x5180  }
0x76: {  	[spmem:s2] =	stream.indirect.scatter.add.f32 [tilespmem:s31], [sflag:$0x5], $0x40, s9, s24, $0xb8;
	[tilespmem:$0x1EE80] =	vst v63  }
0x77: {  	_ =	swait.ge [sflag:s18], $0x2000  }
0x78: {  	[sflag:s18] =	ssyncset.done $0x0  }
0x79: {  	[sflag:s18] =	ssyncadd.s32 $0xFFFFE000  }
0x7a: {  	[spmem:s3] =	stream.indirect.scatter.add.f32 [tilespmem:s20], [sflag:$0x5], $0x8, s9, s24, $0xb8;
	[tilespmem:$0x1EE80] =	vst v63  }
0x7b: {  	_ =	swait.ge [sflag:s18], $0x400  }
0x7c: {  	s7 =	simm.s32 $0x800;
	[sflag:s18] =	ssyncset.done $0x0  }
.LBB2_3:
0x7d: {  	p1 =	sne.s32 s7, $0x13000  }
0x7e: {  	[sflag:s18] =	ssyncadd.s32 $0xFFFFFC00;
	s8 =	smov.u32 s7;
	s7 =	sadd.s32 $0x800, s7  }
0x7f: {  	_ =	swait.ge [sflag:s30], $0x2000  }
0x80: {  	s8 =	sshra.s32 s8, $0x2;
	[sflag:s30] =	ssyncset.done $0x0  }
0x81: {  	s9 =	sadd.s32 $0x180, s8;
	[sflag:s30] =	ssyncadd.s32 $0xFFFFE000  }
0x82: {  	[tilespmem:s31], [sflag:$0x4] =	stream.indirect.gather [hbm4b:s5+s24], $0x40, s9, s24, $0xb8;
	[tilespmem:$0x1EE80] =	vst v63  }
0x83: {  	s9 =	sadd.s32 $0x5000, s8  }
0x84: {  	[spmem:s2] =	stream.indirect.scatter.add.f32 [tilespmem:s25], [sflag:$0x5], $0x40, s9, s24, $0xb8;
	[tilespmem:$0x1EE80] =	vst v63  }
0x85: {  	_ =	swait.ge [sflag:s18], $0x2000  }
0x86: {  	[sflag:s18] =	ssyncset.done $0x0  }
0x87: {  	[sflag:s18] =	ssyncadd.s32 $0xFFFFE000  }
0x88: {  	[spmem:s3] =	stream.indirect.scatter.add.f32 [tilespmem:s20], [sflag:$0x5], $0x8, s9, s24, $0xb8;
	[tilespmem:$0x1EE80] =	vst v63  }
0x89: {  	_ =	swait.ge [sflag:s18], $0x400  }
0x8a: {  	[sflag:s18] =	ssyncset.done $0x0  }
0x8b: {  	[sflag:s18] =	ssyncadd.s32 $0xFFFFFC00  }
0x8c: {  	_ =	swait.ge [sflag:s0], $0x2000  }
0x8d: {  	[sflag:s0] =	ssyncset.done $0x0  }
0x8e: {  	s9 =	sadd.s32 $0x200, s8;
	[sflag:s0] =	ssyncadd.s32 $0xFFFFE000  }
0x8f: {  	[tilespmem:s25], [sflag:$0x1] =	stream.indirect.gather [hbm4b:s5+s24], $0x40, s9, s24, $0xb8;
	[tilespmem:$0x1EE80] =	vst v63  }
0x90: {  	s9 =	sadd.s32 $0x5080, s8  }
0x91: {  	[spmem:s2] =	stream.indirect.scatter.add.f32 [tilespmem:s26], [sflag:$0x5], $0x40, s9, s24, $0xb8;
	[tilespmem:$0x1EE80] =	vst v63  }
0x92: {  	_ =	swait.ge [sflag:s18], $0x2000  }
0x93: {  	[sflag:s18] =	ssyncset.done $0x0  }
0x94: {  	[sflag:s18] =	ssyncadd.s32 $0xFFFFE000  }
0x95: {  	[spmem:s3] =	stream.indirect.scatter.add.f32 [tilespmem:s20], [sflag:$0x5], $0x8, s9, s24, $0xb8;
	[tilespmem:$0x1EE80] =	vst v63  }
0x96: {  	_ =	swait.ge [sflag:s18], $0x400  }
0x97: {  	[sflag:s18] =	ssyncset.done $0x0  }
0x98: {  	[sflag:s18] =	ssyncadd.s32 $0xFFFFFC00  }
0x99: {  	_ =	swait.ge [sflag:s1], $0x2000  }
0x9a: {  	[sflag:s1] =	ssyncset.done $0x0  }
0x9b: {  	s9 =	sadd.s32 $0x280, s8;
	[sflag:s1] =	ssyncadd.s32 $0xFFFFE000  }
0x9c: {  	[tilespmem:s26], [sflag:$0x2] =	stream.indirect.gather [hbm4b:s5+s24], $0x40, s9, s24, $0xb8;
	[tilespmem:$0x1EE80] =	vst v63  }
0x9d: {  	s9 =	sadd.s32 $0x5100, s8  }
0x9e: {  	[spmem:s2] =	stream.indirect.scatter.add.f32 [tilespmem:s29], [sflag:$0x5], $0x40, s9, s24, $0xb8;
	[tilespmem:$0x1EE80] =	vst v63  }
0x9f: {  	_ =	swait.ge [sflag:s18], $0x2000  }
0xa0: {  	[sflag:s18] =	ssyncset.done $0x0  }
0xa1: {  	[sflag:s18] =	ssyncadd.s32 $0xFFFFE000  }
0xa2: {  	[spmem:s3] =	stream.indirect.scatter.add.f32 [tilespmem:s20], [sflag:$0x5], $0x8, s9, s24, $0xb8;
	[tilespmem:$0x1EE80] =	vst v63  }
0xa3: {  	_ =	swait.ge [sflag:s18], $0x400  }
0xa4: {  	[sflag:s18] =	ssyncset.done $0x0  }
0xa5: {  	[sflag:s18] =	ssyncadd.s32 $0xFFFFFC00  }
0xa6: {  	_ =	swait.ge [sflag:s19], $0x2000  }
0xa7: {  	[sflag:s19] =	ssyncset.done $0x0  }
0xa8: {  	s9 =	sadd.s32 $0x300, s8;
	[sflag:s19] =	ssyncadd.s32 $0xFFFFE000  }
0xa9: {  	[tilespmem:s29], [sflag:$0x3] =	stream.indirect.gather [hbm4b:s5+s24], $0x40, s9, s24, $0xb8;
	[tilespmem:$0x1EE80] =	vst v63  }
0xaa: {  	s8 =	sadd.s32 $0x5180, s8  }
0xab: {  	[spmem:s2] =	stream.indirect.scatter.add.f32 [tilespmem:s31], [sflag:$0x5], $0x40, s8, s24, $0xb8;
	[tilespmem:$0x1EE80] =	vst v63  }
0xac: {  	_ =	swait.ge [sflag:s18], $0x2000  }
.Ltmp3:
0xad: {  	[sflag:s18] =	ssyncset.done $0x0;
	(pc) =	sbr.rel @p1 .LBB2_3-.Ltmp3, $4  }
0xae: {  	[sflag:s18] =	ssyncadd.s32 $0xFFFFE000  }
0xaf: {  	[spmem:s3] =	stream.indirect.scatter.add.f32 [tilespmem:s20], [sflag:$0x5], $0x8, s8, s24, $0xb8;
	[tilespmem:$0x1EE80] =	vst v63  }
0xb0: {  	_ =	swait.ge [sflag:s18], $0x400  }
0xb1: {  	[sflag:s18] =	ssyncset.done $0x0  }
0xb2: {  	[sflag:s18] =	ssyncadd.s32 $0xFFFFFC00  }
0xb3: {  	_ =	swait.ge [sflag:s30], $0x2000  }
0xb4: {  	[sflag:s30] =	ssyncset.done $0x0  }
0xb5: {  	[sflag:s30] =	ssyncadd.s32 $0xFFFFE000  }
0xb6: {  	[tilespmem:s31], [sflag:$0x4] =	stream.indirect.gather [hbm4b:s5+s24], $0x40, s28, s24, $0xb8;
	[tilespmem:$0x1EE80] =	vst v63  }
0xb7: {  	s4 =	simm.s32 $0x9E00  }
0xb8: {  	[spmem:s2] =	stream.indirect.scatter.add.f32 [tilespmem:s25], [sflag:$0x5], $0x40, s4, s24, $0xb8;
	[tilespmem:$0x1EE80] =	vst v63  }
0xb9: {  	_ =	swait.ge [sflag:s18], $0x2000  }
0xba: {  	[sflag:s18] =	ssyncset.done $0x0  }
0xbb: {  	[sflag:s18] =	ssyncadd.s32 $0xFFFFE000  }
0xbc: {  	[spmem:s3] =	stream.indirect.scatter.add.f32 [tilespmem:s20], [sflag:$0x5], $0x8, s4, s24, $0xb8;
	[tilespmem:$0x1EE80] =	vst v63  }
0xbd: {  	_ =	swait.ge [sflag:s18], $0x400  }
0xbe: {  	[sflag:s18] =	ssyncset.done $0x0  }
0xbf: {  	[sflag:s18] =	ssyncadd.s32 $0xFFFFFC00  }
0xc0: {  	_ =	swait.ge [sflag:s0], $0x2000  }
0xc1: {  	[sflag:s0] =	ssyncset.done $0x0  }
0xc2: {  	[sflag:s0] =	ssyncadd.s32 $0xFFFFE000  }
0xc3: {  	[tilespmem:s25], [sflag:$0x1] =	stream.indirect.gather [hbm4b:s5+s24], $0x40, s28, s24, $0xb8;
	[tilespmem:$0x1EE80] =	vst v63  }
0xc4: {  	s7 =	simm.s32 $0x9E80  }
0xc5: {  	[spmem:s2] =	stream.indirect.scatter.add.f32 [tilespmem:s26], [sflag:$0x5], $0x40, s7, s24, $0xb8;
	[tilespmem:$0x1EE80] =	vst v63  }
0xc6: {  	_ =	swait.ge [sflag:s18], $0x2000  }
0xc7: {  	[sflag:s18] =	ssyncset.done $0x0  }
0xc8: {  	[sflag:s18] =	ssyncadd.s32 $0xFFFFE000  }
0xc9: {  	[spmem:s3] =	stream.indirect.scatter.add.f32 [tilespmem:s20], [sflag:$0x5], $0x8, s7, s24, $0xb8;
	[tilespmem:$0x1EE80] =	vst v63  }
0xca: {  	_ =	swait.ge [sflag:s18], $0x400  }
0xcb: {  	[sflag:s18] =	ssyncset.done $0x0  }
0xcc: {  	[sflag:s18] =	ssyncadd.s32 $0xFFFFFC00  }
0xcd: {  	_ =	swait.ge [sflag:s1], $0x2000  }
0xce: {  	[sflag:s1] =	ssyncset.done $0x0  }
0xcf: {  	[sflag:s1] =	ssyncadd.s32 $0xFFFFE000  }
0xd0: {  	[tilespmem:s26], [sflag:$0x2] =	stream.indirect.gather [hbm4b:s5+s24], $0x40, s28, s24, $0xb8;
	[tilespmem:$0x1EE80] =	vst v63  }
0xd1: {  	s8 =	simm.s32 $0x9F00  }
0xd2: {  	[spmem:s2] =	stream.indirect.scatter.add.f32 [tilespmem:s29], [sflag:$0x5], $0x40, s8, s24, $0xb8;
	[tilespmem:$0x1EE80] =	vst v63  }
0xd3: {  	_ =	swait.ge [sflag:s18], $0x2000  }
0xd4: {  	[sflag:s18] =	ssyncset.done $0x0  }
0xd5: {  	[sflag:s18] =	ssyncadd.s32 $0xFFFFE000  }
0xd6: {  	[spmem:s3] =	stream.indirect.scatter.add.f32 [tilespmem:s20], [sflag:$0x5], $0x8, s8, s24, $0xb8;
	[tilespmem:$0x1EE80] =	vst v63  }
0xd7: {  	_ =	swait.ge [sflag:s18], $0x400  }
0xd8: {  	[sflag:s18] =	ssyncset.done $0x0  }
0xd9: {  	[sflag:s18] =	ssyncadd.s32 $0xFFFFFC00  }
0xda: {  	_ =	swait.ge [sflag:s19], $0x2000  }
0xdb: {  	[sflag:s19] =	ssyncset.done $0x0  }
0xdc: {  	[sflag:s19] =	ssyncadd.s32 $0xFFFFE000  }
0xdd: {  	[tilespmem:s29], [sflag:$0x3] =	stream.indirect.gather [hbm4b:s5+s24], $0x40, s28, s24, $0xb8;
	[tilespmem:$0x1EE80] =	vst v63  }
0xde: {  	s9 =	simm.s32 $0x9F80  }
0xdf: {  	[spmem:s2] =	stream.indirect.scatter.add.f32 [tilespmem:s31], [sflag:$0x5], $0x40, s9, s24, $0xb8;
	[tilespmem:$0x1EE80] =	vst v63  }
0xe0: {  	_ =	swait.ge [sflag:s18], $0x2000  }
0xe1: {  	[sflag:s18] =	ssyncset.done $0x0  }
.Ltmp4:
0xe2: {  	[sflag:s18] =	ssyncadd.s32 $0xFFFFE000;
	(pc) =	sbr.rel .LBB2_8-.Ltmp4, $4  }
0xe3: {  	[spmem:s3] =	stream.indirect.scatter.add.f32 [tilespmem:s20], [sflag:$0x5], $0x8, s9, s24, $0xb8;
	[tilespmem:$0x1EE80] =	vst v63  }
0xe4: {  	_ =	swait.ge [sflag:s18], $0x400  }
0xe5: {  	[sflag:s18] =	ssyncset.done $0x0  }
0xe6: {  	[sflag:s18] =	ssyncadd.s32 $0xFFFFFC00  }
.LBB2_5:
0xe7: {  	[tilespmem:s25], [sflag:$0x1] =	stream.indirect.gather [hbm4b:s6+s24], $0x40, s7, s24, $0xb8;
	[tilespmem:$0x1EE80] =	vst v63  }
0xe8: {  	_ = 	snop  }
0xe9: {  	[tilespmem:s26], [sflag:$0x2] =	stream.indirect.gather [hbm4b:s6+s24], $0x40, s24, s24, $0xb8;
	[tilespmem:$0x1EE80] =	vst v63  }
0xea: {  	s4 =	simm.s32 $0x100  }
0xeb: {  	[tilespmem:s29], [sflag:$0x3] =	stream.indirect.gather [hbm4b:s6+s24], $0x40, s4, s24, $0xb8;
	[tilespmem:$0x1EE80] =	vst v63  }
0xec: {  	_ =	swait.ge [sflag:s30], $0x2000  }
0xed: {  	[sflag:s30] =	ssyncset.done $0x0  }
0xee: {  	s8 =	simm.s32 $0x180;
	[sflag:s30] =	ssyncadd.s32 $0xFFFFE000  }
0xef: {  	[tilespmem:s31], [sflag:$0x4] =	stream.indirect.gather [hbm4b:s6+s24], $0x40, s8, s24, $0xb8;
	[tilespmem:$0x1EE80] =	vst v63  }
0xf0: {  	s9 =	simm.s32 $0x5000  }
0xf1: {  	[spmem:s2] =	stream.indirect.scatter.add.f32 [tilespmem:s25], [sflag:$0x5], $0x40, s9, s24, $0xb8;
	[tilespmem:$0x1EE80] =	vst v63  }
0xf2: {  	_ =	swait.ge [sflag:s18], $0x2000  }
0xf3: {  	[sflag:s18] =	ssyncset.done $0x0  }
0xf4: {  	[sflag:s18] =	ssyncadd.s32 $0xFFFFE000  }
0xf5: {  	_ =	swait.ge [sflag:s0], $0x2000  }
0xf6: {  	[sflag:s0] =	ssyncset.done $0x0  }
0xf7: {  	s4 =	simm.s32 $0x200;
	[sflag:s0] =	ssyncadd.s32 $0xFFFFE000  }
0xf8: {  	[tilespmem:s25], [sflag:$0x1] =	stream.indirect.gather [hbm4b:s6+s24], $0x40, s4, s24, $0xb8;
	[tilespmem:$0x1EE80] =	vst v63  }
0xf9: {  	s8 =	simm.s32 $0x5080  }
0xfa: {  	[spmem:s2] =	stream.indirect.scatter.add.f32 [tilespmem:s26], [sflag:$0x5], $0x40, s8, s24, $0xb8;
	[tilespmem:$0x1EE80] =	vst v63  }
0xfb: {  	_ =	swait.ge [sflag:s18], $0x2000  }
0xfc: {  	[sflag:s18] =	ssyncset.done $0x0  }
0xfd: {  	[sflag:s18] =	ssyncadd.s32 $0xFFFFE000  }
0xfe: {  	_ =	swait.ge [sflag:s1], $0x2000  }
0xff: {  	[sflag:s1] =	ssyncset.done $0x0  }
0x100: {  	s9 =	simm.s32 $0x280;
	[sflag:s1] =	ssyncadd.s32 $0xFFFFE000  }
0x101: {  	[tilespmem:s26], [sflag:$0x2] =	stream.indirect.gather [hbm4b:s6+s24], $0x40, s9, s24, $0xb8;
	[tilespmem:$0x1EE80] =	vst v63  }
0x102: {  	s4 =	simm.s32 $0x5100  }
0x103: {  	[spmem:s2] =	stream.indirect.scatter.add.f32 [tilespmem:s29], [sflag:$0x5], $0x40, s4, s24, $0xb8;
	[tilespmem:$0x1EE80] =	vst v63  }
0x104: {  	_ =	swait.ge [sflag:s18], $0x2000  }
0x105: {  	[sflag:s18] =	ssyncset.done $0x0  }
0x106: {  	[sflag:s18] =	ssyncadd.s32 $0xFFFFE000  }
0x107: {  	_ =	swait.ge [sflag:s19], $0x2000  }
0x108: {  	[sflag:s19] =	ssyncset.done $0x0  }
0x109: {  	s8 =	simm.s32 $0x300;
	[sflag:s19] =	ssyncadd.s32 $0xFFFFE000  }
0x10a: {  	[tilespmem:s29], [sflag:$0x3] =	stream.indirect.gather [hbm4b:s6+s24], $0x40, s8, s24, $0xb8;
	[tilespmem:$0x1EE80] =	vst v63  }
0x10b: {  	s9 =	simm.s32 $0x5180  }
0x10c: {  	[spmem:s2] =	stream.indirect.scatter.add.f32 [tilespmem:s31], [sflag:$0x5], $0x40, s9, s24, $0xb8;
	[tilespmem:$0x1EE80] =	vst v63  }
0x10d: {  	_ =	swait.ge [sflag:s18], $0x2000  }
0x10e: {  	s7 =	simm.s32 $0x800;
	[sflag:s18] =	ssyncset.done $0x0  }
.LBB2_6:
0x10f: {  	p1 =	sne.s32 s7, $0x13000  }
0x110: {  	[sflag:s18] =	ssyncadd.s32 $0xFFFFE000;
	s8 =	smov.u32 s7;
	s7 =	sadd.s32 $0x800, s7  }
0x111: {  	_ = 	snop  }
0x112: {  	_ =	swait.ge [sflag:s30], $0x2000  }
0x113: {  	s8 =	sshra.s32 s8, $0x2;
	[sflag:s30] =	ssyncset.done $0x0  }
0x114: {  	s9 =	sadd.s32 $0x180, s8;
	[sflag:s30] =	ssyncadd.s32 $0xFFFFE000  }
0x115: {  	[tilespmem:s31], [sflag:$0x4] =	stream.indirect.gather [hbm4b:s6+s24], $0x40, s9, s24, $0xb8;
	[tilespmem:$0x1EE80] =	vst v63  }
0x116: {  	s9 =	sadd.s32 $0x5000, s8  }
0x117: {  	[spmem:s2] =	stream.indirect.scatter.add.f32 [tilespmem:s25], [sflag:$0x5], $0x40, s9, s24, $0xb8;
	[tilespmem:$0x1EE80] =	vst v63  }
0x118: {  	_ =	swait.ge [sflag:s18], $0x2000  }
0x119: {  	[sflag:s18] =	ssyncset.done $0x0  }
0x11a: {  	[sflag:s18] =	ssyncadd.s32 $0xFFFFE000  }
0x11b: {  	_ =	swait.ge [sflag:s0], $0x2000  }
0x11c: {  	[sflag:s0] =	ssyncset.done $0x0  }
0x11d: {  	s9 =	sadd.s32 $0x200, s8;
	[sflag:s0] =	ssyncadd.s32 $0xFFFFE000  }
0x11e: {  	[tilespmem:s25], [sflag:$0x1] =	stream.indirect.gather [hbm4b:s6+s24], $0x40, s9, s24, $0xb8;
	[tilespmem:$0x1EE80] =	vst v63  }
0x11f: {  	s9 =	sadd.s32 $0x5080, s8  }
0x120: {  	[spmem:s2] =	stream.indirect.scatter.add.f32 [tilespmem:s26], [sflag:$0x5], $0x40, s9, s24, $0xb8;
	[tilespmem:$0x1EE80] =	vst v63  }
0x121: {  	_ =	swait.ge [sflag:s18], $0x2000  }
0x122: {  	[sflag:s18] =	ssyncset.done $0x0  }
0x123: {  	[sflag:s18] =	ssyncadd.s32 $0xFFFFE000  }
0x124: {  	_ =	swait.ge [sflag:s1], $0x2000  }
0x125: {  	[sflag:s1] =	ssyncset.done $0x0  }
0x126: {  	s9 =	sadd.s32 $0x280, s8;
	[sflag:s1] =	ssyncadd.s32 $0xFFFFE000  }
0x127: {  	[tilespmem:s26], [sflag:$0x2] =	stream.indirect.gather [hbm4b:s6+s24], $0x40, s9, s24, $0xb8;
	[tilespmem:$0x1EE80] =	vst v63  }
0x128: {  	s9 =	sadd.s32 $0x5100, s8  }
0x129: {  	[spmem:s2] =	stream.indirect.scatter.add.f32 [tilespmem:s29], [sflag:$0x5], $0x40, s9, s24, $0xb8;
	[tilespmem:$0x1EE80] =	vst v63  }
0x12a: {  	_ =	swait.ge [sflag:s18], $0x2000  }
0x12b: {  	[sflag:s18] =	ssyncset.done $0x0  }
0x12c: {  	[sflag:s18] =	ssyncadd.s32 $0xFFFFE000  }
0x12d: {  	_ =	swait.ge [sflag:s19], $0x2000  }
0x12e: {  	[sflag:s19] =	ssyncset.done $0x0  }
0x12f: {  	s9 =	sadd.s32 $0x300, s8;
	[sflag:s19] =	ssyncadd.s32 $0xFFFFE000  }
0x130: {  	[tilespmem:s29], [sflag:$0x3] =	stream.indirect.gather [hbm4b:s6+s24], $0x40, s9, s24, $0xb8;
	[tilespmem:$0x1EE80] =	vst v63  }
.Ltmp5:
0x131: {  	_ = 	snop;
	(pc) =	sbr.rel @p1 .LBB2_6-.Ltmp5, $4  }
0x132: {  	s8 =	sadd.s32 $0x5180, s8  }
0x133: {  	[spmem:s2] =	stream.indirect.scatter.add.f32 [tilespmem:s31], [sflag:$0x5], $0x40, s8, s24, $0xb8;
	[tilespmem:$0x1EE80] =	vst v63  }
0x134: {  	_ =	swait.ge [sflag:s18], $0x2000  }
0x135: {  	[sflag:s18] =	ssyncset.done $0x0  }
0x136: {  	[sflag:s18] =	ssyncadd.s32 $0xFFFFE000  }
0x137: {  	_ =	swait.ge [sflag:s30], $0x2000  }
0x138: {  	[sflag:s30] =	ssyncset.done $0x0  }
0x139: {  	[sflag:s30] =	ssyncadd.s32 $0xFFFFE000  }
0x13a: {  	[tilespmem:s31], [sflag:$0x4] =	stream.indirect.gather [hbm4b:s6+s24], $0x40, s28, s24, $0xb8;
	[tilespmem:$0x1EE80] =	vst v63  }
0x13b: {  	s4 =	simm.s32 $0x9E00  }
0x13c: {  	[spmem:s2] =	stream.indirect.scatter.add.f32 [tilespmem:s25], [sflag:$0x5], $0x40, s4, s24, $0xb8;
	[tilespmem:$0x1EE80] =	vst v63  }
0x13d: {  	_ =	swait.ge [sflag:s18], $0x2000  }
0x13e: {  	[sflag:s18] =	ssyncset.done $0x0  }
0x13f: {  	[sflag:s18] =	ssyncadd.s32 $0xFFFFE000  }
0x140: {  	_ =	swait.ge [sflag:s0], $0x2000  }
0x141: {  	[sflag:s0] =	ssyncset.done $0x0  }
0x142: {  	[sflag:s0] =	ssyncadd.s32 $0xFFFFE000  }
0x143: {  	[tilespmem:s25], [sflag:$0x1] =	stream.indirect.gather [hbm4b:s6+s24], $0x40, s28, s24, $0xb8;
	[tilespmem:$0x1EE80] =	vst v63  }
0x144: {  	s7 =	simm.s32 $0x9E80  }
0x145: {  	[spmem:s2] =	stream.indirect.scatter.add.f32 [tilespmem:s26], [sflag:$0x5], $0x40, s7, s24, $0xb8;
	[tilespmem:$0x1EE80] =	vst v63  }
0x146: {  	_ =	swait.ge [sflag:s18], $0x2000  }
0x147: {  	[sflag:s18] =	ssyncset.done $0x0  }
0x148: {  	[sflag:s18] =	ssyncadd.s32 $0xFFFFE000  }
0x149: {  	_ =	swait.ge [sflag:s1], $0x2000  }
0x14a: {  	[sflag:s1] =	ssyncset.done $0x0  }
0x14b: {  	[sflag:s1] =	ssyncadd.s32 $0xFFFFE000  }
0x14c: {  	[tilespmem:s26], [sflag:$0x2] =	stream.indirect.gather [hbm4b:s6+s24], $0x40, s28, s24, $0xb8;
	[tilespmem:$0x1EE80] =	vst v63  }
0x14d: {  	s8 =	simm.s32 $0x9F00  }
0x14e: {  	[spmem:s2] =	stream.indirect.scatter.add.f32 [tilespmem:s29], [sflag:$0x5], $0x40, s8, s24, $0xb8;
	[tilespmem:$0x1EE80] =	vst v63  }
0x14f: {  	_ =	swait.ge [sflag:s18], $0x2000  }
0x150: {  	[sflag:s18] =	ssyncset.done $0x0  }
0x151: {  	[sflag:s18] =	ssyncadd.s32 $0xFFFFE000  }
0x152: {  	_ =	swait.ge [sflag:s19], $0x2000  }
0x153: {  	[sflag:s19] =	ssyncset.done $0x0  }
0x154: {  	[sflag:s19] =	ssyncadd.s32 $0xFFFFE000  }
0x155: {  	[tilespmem:s29], [sflag:$0x3] =	stream.indirect.gather [hbm4b:s6+s24], $0x40, s28, s24, $0xb8;
	[tilespmem:$0x1EE80] =	vst v63  }
0x156: {  	s9 =	simm.s32 $0x9F80  }
0x157: {  	[spmem:s2] =	stream.indirect.scatter.add.f32 [tilespmem:s31], [sflag:$0x5], $0x40, s9, s24, $0xb8;
	[tilespmem:$0x1EE80] =	vst v63  }
0x158: {  	_ =	swait.ge [sflag:s18], $0x2000  }
0x159: {  	[sflag:s18] =	ssyncset.done $0x0  }
0x15a: {  	[sflag:s18] =	ssyncadd.s32 $0xFFFFE000  }
.LBB2_8:
0x15b: {  	_ =	swait.ge [sflag:s30], $0x2000  }
0x15c: {  	[sflag:s30] =	ssyncset.done $0x0  }
0x15d: {  	[sflag:s30] =	ssyncadd.s32 $0xFFFFE000  }
0x15e: {  	_ =	swait.ge [sflag:s0], $0x2000  }
0x15f: {  	[sflag:s0] =	ssyncset.done $0x0  }
0x160: {  	[sflag:s0] =	ssyncadd.s32 $0xFFFFE000  }
0x161: {  	_ =	swait.ge [sflag:s1], $0x2000  }
0x162: {  	[sflag:s1] =	ssyncset.done $0x0  }
0x163: {  	[sflag:s1] =	ssyncadd.s32 $0xFFFFE000  }
0x164: {  	[bflag:$0x0] =	sbarrier.arrive $0xFFFF  }
0x165: {  	s4 =	rddreg [dreg:$0x9]  }
0x166: {  	[hbm:s11], [sflag:s21] =	dma.local [spmem:s4], $0x1400  }
0x167: {  	_ =	swait.ge [sflag:s18], $0x1400  }
0x168: {  	[sflag:s18] =	ssyncset.done $0x0  }
.Ltmp6:
0x169: {  	[sflag:s18] =	ssyncadd.s32 $0xFFFFEC00;
	(pc) =	sbr.rel @p0 .LBB2_12-.Ltmp6, $4  }
0x16a: {  	[hbm:s15], [sflag:s21] =	dma.local [spmem:s23], $0x280  }
0x16b: {  	_ =	swait.ge [sflag:s18], $0x280  }
0x16c: {  	[sflag:s18] =	ssyncset.done $0x0  }
0x16d: {  	[sflag:s18] =	ssyncadd.s32 $0xFFFFFD80  }
0x16e: {  	s7 =	simm.s32 $0x0  }
0x16f: {  	v1 =	vmov s7  }
0x170: {  	s4 =	smov.u32 s15;
	v1 =	vshll.u32 v1, $0x3  }
0x171: {  	s15 =	smov.u32 s14;
	s14 =	smov.u32 s12;
	s12 =	rddreg [dreg:$0x7];
	v1 =	vor.u32 v0, v1  }
0x172: {  	[tilespmem:s16], [sflag:$0x5] =	stream.linear.gather [spmem:s12], $0x1400, $0x38;
	[tilespmem:$0x1EE80] =	vst v63  }
0x173: {  	_ =	swait.ge [sflag:s18], $0x1400  }
0x174: {  	[sflag:s18] =	ssyncset.done $0x0  }
0x175: {  	[sflag:s18] =	ssyncadd.s32 $0xFFFFEC00  }
0x176: {  	v1 =	vld.idx.msk [tilespmem:v1+s16+$0x0], $0xffff;
	_ =	sdelay $0x4  }
0x177: {  	v1 =	vmax.f32 v1, $1.000000000e+00  }
0x178: {  	(erf) = vrcp.f32 v1;
	_ =	sdelay $0x3  }
0x179: {  	s7 =	simm.s32 $0x10  }
0x17a: {  	v1 =	vmov s7  }
0x17b: {  	v1 =	vshll.u32 v1, $0x3  }
0x17c: {  	v1 =	vor.u32 v0, v1  }
0x17d: {  	s8 =	sadd.s32 $0x0, s10  }
0x17e: {  	p1 =	slt.u32 s8, $0x2710;
	v2 =	vpop (erf)  }
0x17f: {  	s9 =	simm.s32 $0x13800;
	v2 =	vpsel !p1, $0x0, v2  }
0x180: {  	[tilespmem:s9+$0x0] =	vst v2  }
0x181: {  	v1 =	vld.idx.msk [tilespmem:v1+s16+$0x0], $0xffff;
	_ =	sdelay $0x4  }
0x182: {  	v1 =	vmax.f32 v1, $1.000000000e+00  }
0x183: {  	(erf) = vrcp.f32 v1;
	_ =	sdelay $0x3  }
0x184: {  	s8 =	simm.s32 $0x20  }
0x185: {  	s22 =	smov.u32 s17;
	s17 =	smov.u32 s11;
	s11 =	simm.s32 $0x30;
	v1 =	vmov s8  }
.LBB2_10:
0x186: {  	p1 =	sne.s32 s11, $0x270;
	v1 =	vshll.u32 v1, $0x3  }
0x187: {  	v1 =	vor.u32 v0, v1  }
0x188: {  	s12 =	sadd.s32 s10, s7;
	s7 =	smov.u32 s8;
	s8 =	smov.u32 s11  }
0x189: {  	p2 =	slt.u32 s12, $0x2710;
	v2 =	vpop (erf)  }
0x18a: {  	s9 =	sadd.s32 $0x10, s9;
	v2 =	vpsel !p2, $0x0, v2  }
0x18b: {  	[tilespmem:s9+$0x0] =	vst v2  }
0x18c: {  	v1 =	vld.idx.msk [tilespmem:v1+s16+$0x0], $0xffff;
	_ =	sdelay $0x5  }
0x18d: {  	v1 =	vmax.f32 v1, $1.000000000e+00  }
0x18e: {  	(erf) = vrcp.f32 v1  }
.Ltmp7:
0x18f: {  	(pc) =	sbr.rel @p1 .LBB2_10-.Ltmp7, $2  }
0x190: {  	_ =	sdelay $0x2  }
0x191: {  	s11 =	sadd.s32 $0x10, s11;
	v1 =	vmov s8  }
.Ltmp8:
0x192: {  	_ = 	snop;
	(pc) =	sbr.rel .LBB2_11-.Ltmp8, $1  }
0x193: {  	_ =	sdelay $0x3  }
.LBB2_13:
0x194: {  	_ =	sfence.sel $0x180000  }
0x195: {  	[bflag:$0x0] =	sbarrier.arrive $0xFFFF  }
0x196: {  	_ =	strace $0x90000047  }
0x197: {  	s0 =	stileid.u32;
	[bflag:$0x2] =	sbarrier.arrive $0xFFFF  }
0x198: {  	p0 =	sne.s32 s0, $0x0;
	s0 =	rddreg [dreg:$0x3]  }
0x199: {  	s0 =	sadd.s32 @!p0 $0x100000, s0  }
0x19a: {  	[sflag:s0] =	ssyncadd.tile.s32 @!p0 $0x1;
	_ =	shalt  }
.Lfunc_end2:
_tile_overlayer_lowered:
.L_overlay_start_2:
0x19b: {  	(tag) =	ssettag $0x2  }
0x19c: {  	s0 =	rddreg [dreg:$0x0];
	s2 =	stileid.u32  }
0x19d: {  	s1 =	rddreg [dreg:$0x1];
	p0 =	sne.s32 s2, $0x0  }
0x19e: {  	s3 =	rddreg [dreg:$0x2];
	[bflag:$0x3] =	sbarrier.arrive $0xFFFF;
	s2 =	simm.s32 @!p0 $0x1C05  }
0x19f: {  	[timem:s3], [sflag:s2] =	dma.local @!p0 [hbm:s0], s1  }
0x1a0: {  	s0 =	simm.s32 @!p0 $0x5  }
0x1a1: {  	_ =	swait.ge @!p0 [sflag:s0], s1  }
0x1a2: {  	s1 =	ssub.s32 @!p0 $0x0, s1;
	[sflag:s0] =	ssyncset.done @!p0 $0x0  }
0x1a3: {  	[sflag:s0] =	ssyncadd.s32 @!p0 s1  }
0x1a4: {  	[bflag:$0x3] =	sbarrier.arrive $0xFFFF  }
0x1a5: {  	_ =	shalt  }

// kernel: kernel.8.cloned.1.call-start
scs
__scs_entry_jumppad:
0x0: {  	(pc) =	sbr.rel $0x88, $3  }
0x1: {  	(tag) =	ssettag $0x0;
	lr =	simm.s32 $0x1  }
0x2: {  	[smem:$0x3F97] =	sst lr;
	_ =	strace $0xD0000000  }
0x3: {  	_ = 	snop  }
0x4: {  	_ = 	snop  }
0x5: {  	_ = 	snop  }
0x6: {  	_ = 	snop  }
0x7: {  	_ = 	snop  }
__scs_overlays_trampoline_lowered:
0x8: {  	[smem:$0x3FA6] =	sst s0  }
0x9: {  	[smem:$0x3FA7] =	sst s1  }
0xa: {  	[smem:$0x3FA8] =	sst s2  }
0xb: {  	[smem:$0x3FA9] =	sst s3  }
0xc: {  	[smem:$0x3FAA] =	sst s4  }
0xd: {  	[smem:$0x3FAB] =	sst s5  }
0xe: {  	[smem:$0x3FAC] =	sst s6  }
0xf: {  	[smem:$0x3FAD] =	sst s7  }
0x10: {  	[smem:$0x3FAE] =	sst s8  }
0x11: {  	[smem:$0x3FAF] =	sst s9;
	s0 =	simm.s32 @!p0 $0x0  }
0x12: {  	s1 =	sld [smem:$0x3F95];
	s0 =	simm.s32 @p0 $0x1  }
0x13: {  	[smem:$0x3FB0] =	sst s0;
	s0 =	simm.s32 @!p1 $0x0  }
0x14: {  	s2 =	sld [smem:$0x3F94];
	s0 =	simm.s32 @p1 $0x1  }
0x15: {  	[smem:$0x3FB1] =	sst s0;
	s0 =	simm.s32 @!p2 $0x0  }
0x16: {  	s3 =	sld [smem:$0x3FDB];
	s0 =	simm.s32 @p2 $0x1  }
0x17: {  	s4 =	simm.s32 $0x1BF5;
	[smem:$0x3FB3] =	sst s0  }
0x18: {  	s0 =	sld [smem:$0x3F96];
	_ =	swait.ge [sflag:s4], $0x0  }
0x19: {  	s7 =	sld [smem:$0x3F97]  }
0x1a: {  	s8 =	sadd.s32 $0xFFFFE003, lr  }
0x1b: {  	s9 =	sadd.s32 $0xFFFFFEF7, lr;
	s5 =	simm.s32 $0xFFFFFFFF;
	p2 =	slt.u32 s8, $0xFFFFF086  }
0x1c: {  	p1 =	slt.u32 s9, $0xF7A;
	s5 =	simm.s32 @!p2 $0x0  }
0x1d: {  	s5 =	simm.s32 @p1 $0x1;
	p0 =	seq.s32 s7, s2  }
0x1e: {  	s7 =	smul.u32 @!p0 $0xF7A, s2;
	p2 =	seq.s32 @!p0 s5, $0x0  }
0x1f: {  	s9 =	smul.u32 $0xF7A, s1;
	s8 =	simm.s32 @!p0 $0x1BF5;
	p2 =	por !p2, p0  }
0x20: {  	[sflag:s8] =	ssyncset.s32 @!p0 $0xFFFFF086;
	s6 =	sadd.s32 @!p0 s3, s7;
	s7 =	simm.s32 @!p0 $0x108  }
0x21: {  	s3 =	sadd.s32 s3, s9;
	s6 =	sadd.s32 @!p0 $0x88, s6;
	s7 =	simm.s32 @p2 $0x1082  }
0x22: {  	[simem:s7], [sflag:s8] =	dma.local @!p0 [hbm:s6], $0xF7A  }
0x23: {  	s9 =	sor.u32 $0xD0000000, s2;
	s6 =	simm.s32 $0x108;
	_ =	swait.ge @!p0 [sflag:s8], $0x0  }
0x24: {  	s3 =	sadd.s32 $0x88, s3;
	s6 =	simm.s32 @!p1 $0x1082;
	[sflag:s4] =	ssyncset.s32 $0xFFFFF086  }
0x25: {  	[simem:s6], [sflag:s4] =	dma.local [hbm:s3], $0xF7A  }
0x26: {  	[smem:$0x3F97] =	sst s1;
	(tag) =	ssettag s2;
	_ =	strace s9  }
0x27: {  	s1 =	sld [smem:$0x3FA7]  }
0x28: {  	s2 =	sld [smem:$0x3FA8]  }
0x29: {  	s4 =	sld [smem:$0x3FAA]  }
0x2a: {  	p0 =	seq.s32 s5, $0x0;
	s5 =	sld [smem:$0x3FAB]  }
0x2b: {  	s6 =	sld [smem:$0x3FAC]  }
0x2c: {  	s7 =	sld [smem:$0x3FAD]  }
0x2d: {  	s3 =	simm.s32 $0x108;
	s8 =	sld [smem:$0x3FAE]  }
0x2e: {  	s3 =	simm.s32 @!p0 $0x1082;
	s9 =	sld [smem:$0x3FAF]  }
0x2f: {  	lr =	sadd.s32 s0, s3;
	s0 =	sld [smem:$0x3FA6]  }
0x30: {  	s3 =	sld [smem:$0x3FA9]  }
0x31: {  	[smem:$0x3FB2] =	sst s10  }
0x32: {  	s10 =	sld [smem:$0x3FB0];
	_ =	sdelay $0x3  }
0x33: {  	p0 =	seq.s32 s10, $0x1;
	s10 =	sld [smem:$0x3FB2];
	_ =	sdelay $0x3  }
0x34: {  	[smem:$0x3FB2] =	sst s10  }
0x35: {  	s10 =	sld [smem:$0x3FB1];
	_ =	sdelay $0x3  }
0x36: {  	p1 =	seq.s32 s10, $0x1;
	s10 =	sld [smem:$0x3FB2];
	_ =	sdelay $0x3  }
0x37: {  	[smem:$0x3FB2] =	sst s10  }
0x38: {  	s10 =	sld [smem:$0x3FB3]  }
0x39: {  	_ = 	snop;
	(pc) =	sbr.ind lr, $3  }
0x3a: {  	_ = 	snop  }
0x3b: {  	_ = 	snop  }
0x3c: {  	p2 =	seq.s32 s10, $0x1;
	s10 =	sld [smem:$0x3FB2]  }
0x3d: {  	_ =	shalt  }
0x3e: {  	_ =	shalt  }
0x3f: {  	_ =	shalt  }
0x40: {  	_ =	shalt  }
0x41: {  	_ =	shalt  }
0x42: {  	_ =	shalt  }
0x43: {  	_ =	shalt  }
0x44: {  	_ =	shalt  }
0x45: {  	_ =	shalt  }
0x46: {  	_ =	shalt  }
0x47: {  	_ =	shalt  }
0x48: {  	_ =	shalt  }
0x49: {  	_ =	shalt  }
0x4a: {  	_ =	shalt  }
0x4b: {  	_ =	shalt  }
0x4c: {  	_ =	shalt  }
0x4d: {  	_ =	shalt  }
0x4e: {  	_ =	shalt  }
0x4f: {  	_ =	shalt  }
0x50: {  	_ =	shalt  }
0x51: {  	_ =	shalt  }
0x52: {  	_ =	shalt  }
0x53: {  	_ =	shalt  }
0x54: {  	_ =	shalt  }
0x55: {  	_ =	shalt  }
0x56: {  	_ =	shalt  }
0x57: {  	_ =	shalt  }
0x58: {  	_ =	shalt  }
0x59: {  	_ =	shalt  }
0x5a: {  	_ =	shalt  }
0x5b: {  	_ =	shalt  }
0x5c: {  	_ =	shalt  }
0x5d: {  	_ =	shalt  }
0x5e: {  	_ =	shalt  }
0x5f: {  	_ =	shalt  }
0x60: {  	_ =	shalt  }
0x61: {  	_ =	shalt  }
0x62: {  	_ =	shalt  }
0x63: {  	_ =	shalt  }
0x64: {  	_ =	shalt  }
0x65: {  	_ =	shalt  }
0x66: {  	_ =	shalt  }
0x67: {  	_ =	shalt  }
0x68: {  	_ =	shalt  }
0x69: {  	_ =	shalt  }
0x6a: {  	_ =	shalt  }
0x6b: {  	_ =	shalt  }
0x6c: {  	_ =	shalt  }
0x6d: {  	_ =	shalt  }
0x6e: {  	_ =	shalt  }
0x6f: {  	_ =	shalt  }
0x70: {  	_ =	shalt  }
0x71: {  	_ =	shalt  }
0x72: {  	_ =	shalt  }
0x73: {  	_ =	shalt  }
0x74: {  	_ =	shalt  }
0x75: {  	_ =	shalt  }
0x76: {  	_ =	shalt  }
0x77: {  	_ =	shalt  }
0x78: {  	_ =	shalt  }
0x79: {  	_ =	shalt  }
0x7a: {  	_ =	shalt  }
0x7b: {  	_ =	shalt  }
0x7c: {  	_ =	shalt  }
0x7d: {  	_ =	shalt  }
0x7e: {  	_ =	shalt  }
0x7f: {  	_ =	shalt  }
0x80: {  	_ =	shalt  }
0x81: {  	_ =	shalt  }
0x82: {  	_ =	shalt  }
0x83: {  	_ =	shalt  }
0x84: {  	_ =	shalt  }
0x85: {  	_ =	shalt  }
0x86: {  	_ =	shalt  }
0x87: {  	_ =	shalt  }
.Lfunc_end0:
.L_simem_size_0:
called_computation.1_lowered:
.L_overlay_start_0:
0x88: {  	s2 =	sld [smem:$0x3FD9]  }
0x89: {  	s3 =	sld [smem:$0x3FFE];
	_ =	sdelay $0x1  }
0x8a: {  	s1 =	srdreg.scid  }
0x8b: {  	s0 =	sand.u32 $0x1, s1  }
0x8c: {  	s16 =	sshll.u32 s0, $0xA;
	s2 =	sadd.s32 s3, s2  }
0x8d: {  	s2 =	sadd.s32 s2, s16  }
0x8e: {  	[smem:$0x3FBE] =	sst s2  }
0x8f: {  	_ = 	snop  }
0x90: {  	(tm) =	ssettm $0x1  }
0x91: {  	s17 =	sld [smem:$0x3FFB];
	_ =	sdelay $0x3  }
0x92: {  	_ =	strace s17  }
0x93: {  	s2 =	sld [smem:$0x3FFC];
	_ =	sdelay $0x3  }
0x94: {  	_ =	strace s2  }
0x95: {  	s2 =	sld [smem:$0x3FFD];
	_ =	sdelay $0x3  }
0x96: {  	_ =	strace s2  }
0x97: {  	_ =	strace $0x8FFFFFFF  }
0x98: {  	s18 =	sld [smem:$0x3FDB];
	_ =	sdelay $0x1  }
0x99: {  	s19 =	simm.s32 $_scs_section_size  }
0x9a: {  	s4 =	simm.s32 $_size__tile_overlayer_lowered;
	s5 =	simm.s32 $_tile_overlayer_lowered  }
0x9b: {  	s22 =	simm.s32 $0x1BFF;
	s21 =	sshll.u32 s5, $0x1;
	s2 =	sadd.s32 s19, s18  }
0x9c: {  	s6 =	simm.s32 $0x0;
	s20 =	sshll.u32 s4, $0x1;
	s4 =	sadd.s32 s21, s2  }
0x9d: {  	[timem:s6], [sflag:s22] =	dma.local [hbm:s4], s20  }
0x9e: {  	_ =	swait.ge [sflag:s22], s20  }
0x9f: {  	s3 =	ssub.s32 $0x0, s20;
	[sflag:s22] =	ssyncset.done $0x0  }
0xa0: {  	[sflag:s22] =	ssyncadd.s32 s3;
	_ =	sdelay $0x1  }
0xa1: {  	s23 =	simm.s32 $0x1B8B  }
0xa2: {  	_ =	swait.ge [sflag:s23], $0x1  }
0xa3: {  	[sflag:s23] =	ssyncset.done $0x0  }
0xa4: {  	s25 =	simm.s32 $0x1B8E;
	s24 =	sld [smem:$0x3FFE];
	[sflag:s23] =	ssyncadd.s32 $0xFFFFFFFF  }
0xa5: {  	s26 =	simm.s32 $execute0_lowered;
	[smem:$0x3FD2] =	sst s25  }
0xa6: {  	s4 =	sshll.u32 s26, $0x1;
	_ =	strace $0x80000049;
	[dreg:$0x1] =	wrdreg $0xFFFFFFFF  }
0xa7: {  	s28 =	simm.s32 $_size_execute0_lowered;
	s2 =	sadd.s32 s2, s4;
	[dreg:$0x0] =	wrdreg $0x0  }
0xa8: {  	s4 =	sshll.u32 s28, $0x1;
	[dreg:$0x2] =	wrdreg s2  }
0xa9: {  	[dreg:$0x3] =	wrdreg s4  }
0xaa: {  	[dreg:$0x4] =	wrdreg $0xC0  }
0xab: {  	_ =	task [dreg:s6], $0x5FFFF  }
0xac: {  	[dreg:$0x1] =	wrdreg $0xFFFFFFFF  }
0xad: {  	[dreg:$0x0] =	wrdreg $0x60  }
0xae: {  	[dreg:$0x2] =	wrdreg s24  }
0xaf: {  	[dreg:$0x3] =	wrdreg $0x80000  }
0xb0: {  	[dreg:$0x4] =	wrdreg $0x9  }
0xb1: {  	_ =	task.clear_ibuf [dreg:s6], $0x5FFFF;
	_ =	strace $0x90000049  }
0xb2: {  	s29 =	simm.s32 $0x9;
	_ =	strace $0x8000004B  }
0xb3: {  	_ =	swait.ge [sflag:s29], $0x1  }
0xb4: {  	[sflag:s29] =	ssyncadd.s32 $0xFFFFFFFF  }
0xb5: {  	_ =	strace $0x9000004B  }
0xb6: {  	_ =	sfence  }
0xb7: {  	s30 =	sld [smem:$0x0];
	_ =	sdelay $0x2  }
0xb8: {  	s31 =	sshll.u32 s1, $0xD;
	s1 =	sshrl.u32 s1, $0x2  }
0xb9: {  	s3 =	sand.u32 $0x4000, s31;
	s1 =	sadd.s32 s1, s30  }
0xba: {  	s0 =	sor.u32 s3, s0;
	s1 =	sshll.u32 s1, $0x11  }
0xbb: {  	s0 =	sor.u32 s1, s0  }
0xbc: {  	s0 =	sadd.s32 $0x8F2B, s0  }
0xbd: {  	[sflag:s0] =	ssyncadd.remote.s32 $0x1  }
0xbe: {  	_ =	sfence.sel $0xFFFF  }
0xbf: {  	[dreg:$0x0] =	wrdreg $0xFFFFFFFF;
	(pc) =	sbr.abs _section_cstart, $3  }
0xc0: {  	[dreg:$0x1] =	wrdreg $0xFFFFFFFF  }
0xc1: {  	_ =	task.clear_ibuf [dreg:s6], $0x2FFFF;
	_ =	strace $0x9FFFFFFF  }
0xc2: {  	(tm) =	ssettm $0x7FFFFFFF  }
0xc3: {  	_ =	shalt  }
tec
execute0_lowered:
.L_overlay_start_1:
0x0: {  	(tag) =	ssettag $0x1  }
0x1: {  	s1 =	srdreg.scid;
	s7 =	rddreg [dreg:$0x0]  }
0x2: {  	s0 =	stileid.u32;
	s2 =	rddreg [dreg:$0x1];
	s3 =	simm.s32 $0x0  }
0x3: {  	s13 =	simm.s32 $0x5000;
	s14 =	simm.s32 $0x7800;
	s15 =	simm.s32 $0x7C00  }
0x4: {  	s18 =	simm.s32 $0x80;
	s19 =	simm.s32 $0x2;
	s20 =	simm.s32 $0x1  }
0x5: {  	s21 =	simm.s32 $0x0;
	s6 =	sand.u32 $0x1, s1;
	s30 =	sshll.u32 s0, $0x1  }
0x6: {  	s9 =	smul.u32 $0x1400, s0;
	[smem:$0x7FF] =	sst s3;
	s4 =	sadd.s32 $0x6BE00, s7  }
0x7: {  	s16 =	sshll.u32 s0, $0x6;
	s1 =	sor.u32 s6, s30;
	s8 =	smul.u32 $0x14000, s6  }
0x8: {  	s11 =	ssub.s32 $0x2, s6;
	s6 =	sadd.s32 $0x3D600, s7;
	s16 =	sor.u32 $0x1C03, s16  }
0x9: {  	v0 =	vlaneseq.u32;
	s5 =	smul.u32 $0x500, s1;
	s1 =	rddreg [dreg:$0x2];
	_ =	strace $0x8000004A  }
0xa: {  	v0 =	vmul.u32 $0x8, v0;
	s31 =	sshrl.u32 s11, $0x1;
	s17 =	sadd.s32 s9, s2;
	s8 =	sadd.s32 s9, s8  }
0xb: {  	s11 =	ssub.s32 s11, s31;
	s17 =	sshrl.u32 s17, $0x3;
	s8 =	sshrl.u32 s8, $0x3  }
0xc: {  	v1 =	vor.u32 $0x80, v0;
	s10 =	sadd.s32 s5, s7;
	s5 =	sadd.s32 $0x3EA00, s7;
	s12 =	sadd.s32 s8, s7  }
0xd: {  	v2 =	vor.u32 $0x100, v0;
	v3 =	vor.u32 $0x180, v0;
	v4 =	vor.u32 $0x200, v0;
	s7 =	sadd.s32 $0x29600, s10;
	s8 =	sadd.s32 $0x33600, s10;
	s10 =	smax.u32 s11, $0x1  }
0xe: {  	v5 =	vor.u32 $0x280, v0;
	v6 =	vor.u32 $0x300, v0;
	v7 =	vor.u32 $0x380, v0;
	s11 =	simm.s32 $0x3;
	s9 =	sadd.s32 $0x2000, s12;
	s12 =	simm.s32 $0x2800  }
.LBB2_1:
0xf: {  	[tilespmem:s3], [sflag:$0x3] =	stream.linear.gather [hbm4b:s4+s3], $0x2800, $0x38;
	[tilespmem:$0x9400] =	vst v63  }
0x10: {  	_ =	swait.ge [sflag:s11], $0x2800  }
0x11: {  	[sflag:s11] =	ssyncset.done $0x0  }
0x12: {  	[sflag:s11] =	ssyncadd.s32 $0xFFFFD800  }
0x13: {  	[tilespmem:s12], [sflag:$0x3] =	stream.linear.gather [hbm4b:s7+s3], $0x2800, $0x38;
	[tilespmem:$0x9400] =	vst v63  }
0x14: {  	_ =	swait.ge [sflag:s11], $0x2800  }
0x15: {  	[sflag:s11] =	ssyncset.done $0x0  }
0x16: {  	[sflag:s11] =	ssyncadd.s32 $0xFFFFD800  }
0x17: {  	[tilespmem:s13], [sflag:$0x3] =	stream.linear.gather [hbm4b:s8+s3], $0x2800, $0x38;
	[tilespmem:$0x9400] =	vst v63  }
0x18: {  	_ =	swait.ge [sflag:s11], $0x2800  }
0x19: {  	[sflag:s11] =	ssyncset.done $0x0  }
0x1a: {  	[sflag:s11] =	ssyncadd.s32 $0xFFFFD800  }
0x1b: {  	[tilespmem:s14], [sflag:$0x3] =	stream.linear.gather [hbm4b:s6+s3], $0x400, $0x38;
	[tilespmem:$0x9400] =	vst v63  }
0x1c: {  	_ =	swait.ge [sflag:s11], $0x400  }
0x1d: {  	[sflag:s11] =	ssyncset.done $0x0  }
0x1e: {  	[sflag:s11] =	ssyncadd.s32 $0xFFFFFC00  }
0x1f: {  	[tilespmem:s15], [sflag:$0x3] =	stream.linear.gather [hbm4b:s6+s3], $0x400, $0x38;
	[tilespmem:$0x9400] =	vst v63  }
0x20: {  	_ =	swait.ge [sflag:s11], $0x400  }
0x21: {  	[sflag:s11] =	ssyncset.done $0x0  }
0x22: {  	[sflag:s11] =	ssyncadd.s32 $0xFFFFFC00  }
0x23: {  	[spmem:s17], [sflag:s16] =	dma.local [hbm:s5], $0x280  }
0x24: {  	_ =	swait.ge [sflag:s11], $0x280  }
0x25: {  	[sflag:s11] =	ssyncset.done $0x0  }
0x26: {  	[sflag:s11] =	ssyncadd.s32 $0xFFFFFD80  }
0x27: {  	s22 =	simm.s32 $0x0;
	[bflag:$0x0] =	sbarrier.arrive $0xFFFF  }
0x28: {  	[spmem:s2] =	stream.indirect.scatter.add.f32 [tilespmem:s15], [sflag:$0x2], $0x8, s12, s18, $0xb8;
	[tilespmem:$0x9400] =	vst v63  }
.LBB2_2:
0x29: {  	s23 =	sshra.s32 s22, $0x2  }
0x2a: {  	v8 =	vld [tilespmem:s23+$0x5000];
	_ =	sdelay $0x7  }
0x2b: {  	v8 =	vld.idx.msk [tilespmem:v8+s3+$0x0], $0xffff;
	_ =	sdelay $0x4  }
0x2c: {  	[tilespmem:v0+s14+$0x0] =	vst.idx.msk $0xffff, v8  }
0x2d: {  	v8 =	vld [tilespmem:s23+$0x5010];
	_ =	sdelay $0x7  }
0x2e: {  	v8 =	vld.idx.msk [tilespmem:v8+s3+$0x0], $0xffff;
	_ =	sdelay $0x4  }
0x2f: {  	[tilespmem:v1+s14+$0x0] =	vst.idx.msk $0xffff, v8  }
0x30: {  	v8 =	vld [tilespmem:s23+$0x5020];
	_ =	sdelay $0x7  }
0x31: {  	v8 =	vld.idx.msk [tilespmem:v8+s3+$0x0], $0xffff;
	_ =	sdelay $0x4  }
0x32: {  	[tilespmem:v2+s14+$0x0] =	vst.idx.msk $0xffff, v8  }
0x33: {  	v8 =	vld [tilespmem:s23+$0x5030];
	_ =	sdelay $0x7  }
0x34: {  	v8 =	vld.idx.msk [tilespmem:v8+s3+$0x0], $0xffff;
	_ =	sdelay $0x4  }
0x35: {  	[tilespmem:v3+s14+$0x0] =	vst.idx.msk $0xffff, v8  }
0x36: {  	v8 =	vld [tilespmem:s23+$0x5040];
	_ =	sdelay $0x7  }
0x37: {  	v8 =	vld.idx.msk [tilespmem:v8+s3+$0x0], $0xffff;
	_ =	sdelay $0x4  }
0x38: {  	[tilespmem:v4+s14+$0x0] =	vst.idx.msk $0xffff, v8  }
0x39: {  	v8 =	vld [tilespmem:s23+$0x5050];
	_ =	sdelay $0x7  }
0x3a: {  	v8 =	vld.idx.msk [tilespmem:v8+s3+$0x0], $0xffff;
	_ =	sdelay $0x4  }
0x3b: {  	[tilespmem:v5+s14+$0x0] =	vst.idx.msk $0xffff, v8  }
0x3c: {  	v8 =	vld [tilespmem:s23+$0x5060];
	_ =	sdelay $0x7  }
0x3d: {  	v8 =	vld.idx.msk [tilespmem:v8+s3+$0x0], $0xffff;
	_ =	sdelay $0x4  }
0x3e: {  	[tilespmem:v6+s14+$0x0] =	vst.idx.msk $0xffff, v8  }
0x3f: {  	v8 =	vld [tilespmem:s23+$0x5070];
	_ =	sdelay $0x7  }
0x40: {  	v8 =	vld.idx.msk [tilespmem:v8+s3+$0x0], $0xffff;
	_ =	sdelay $0x4  }
0x41: {  	[tilespmem:v7+s14+$0x0] =	vst.idx.msk $0xffff, v8  }
0x42: {  	_ =	swait.ge [sflag:s19], $0x400  }
0x43: {  	[sflag:s19] =	ssyncset.done $0x0  }
0x44: {  	s24 =	sadd.s32 $0x2800, s23;
	[sflag:s19] =	ssyncadd.s32 $0xFFFFFC00  }
0x45: {  	[spmem:s2] =	stream.indirect.scatter.add.f32 [tilespmem:s14], [sflag:$0x1], $0x8, s24, s18, $0xb8;
	[tilespmem:$0x9400] =	vst v63  }
0x46: {  	v8 =	vld [tilespmem:s23+$0x5080];
	_ =	sdelay $0x7  }
0x47: {  	v8 =	vld.idx.msk [tilespmem:v8+s3+$0x0], $0xffff;
	_ =	sdelay $0x4  }
0x48: {  	[tilespmem:v0+s15+$0x0] =	vst.idx.msk $0xffff, v8  }
0x49: {  	v8 =	vld [tilespmem:s23+$0x5090];
	_ =	sdelay $0x7  }
0x4a: {  	v8 =	vld.idx.msk [tilespmem:v8+s3+$0x0], $0xffff;
	_ =	sdelay $0x4  }
0x4b: {  	[tilespmem:v1+s15+$0x0] =	vst.idx.msk $0xffff, v8  }
0x4c: {  	v8 =	vld [tilespmem:s23+$0x50A0];
	_ =	sdelay $0x7  }
0x4d: {  	v8 =	vld.idx.msk [tilespmem:v8+s3+$0x0], $0xffff;
	_ =	sdelay $0x4  }
0x4e: {  	[tilespmem:v2+s15+$0x0] =	vst.idx.msk $0xffff, v8  }
0x4f: {  	v8 =	vld [tilespmem:s23+$0x50B0];
	_ =	sdelay $0x7  }
0x50: {  	v8 =	vld.idx.msk [tilespmem:v8+s3+$0x0], $0xffff;
	_ =	sdelay $0x4  }
0x51: {  	[tilespmem:v3+s15+$0x0] =	vst.idx.msk $0xffff, v8  }
0x52: {  	v8 =	vld [tilespmem:s23+$0x50C0];
	_ =	sdelay $0x7  }
0x53: {  	v8 =	vld.idx.msk [tilespmem:v8+s3+$0x0], $0xffff;
	_ =	sdelay $0x4  }
0x54: {  	[tilespmem:v4+s15+$0x0] =	vst.idx.msk $0xffff, v8  }
0x55: {  	v8 =	vld [tilespmem:s23+$0x50D0];
	_ =	sdelay $0x7  }
0x56: {  	v8 =	vld.idx.msk [tilespmem:v8+s3+$0x0], $0xffff;
	_ =	sdelay $0x4  }
0x57: {  	[tilespmem:v5+s15+$0x0] =	vst.idx.msk $0xffff, v8  }
0x58: {  	v8 =	vld [tilespmem:s23+$0x50E0];
	_ =	sdelay $0x7  }
0x59: {  	v8 =	vld.idx.msk [tilespmem:v8+s3+$0x0], $0xffff;
	_ =	sdelay $0x4  }
0x5a: {  	[tilespmem:v6+s15+$0x0] =	vst.idx.msk $0xffff, v8  }
0x5b: {  	v8 =	vld [tilespmem:s23+$0x50F0];
	_ =	sdelay $0x7  }
0x5c: {  	v8 =	vld.idx.msk [tilespmem:v8+s3+$0x0], $0xffff;
	_ =	sdelay $0x3  }
0x5d: {  	p0 =	sne.s32 s22, $0x9C00  }
.Ltmp0:
0x5e: {  	[tilespmem:v7+s15+$0x0] =	vst.idx.msk $0xffff, v8;
	(pc) =	sbr.rel @p0 .LBB2_2-.Ltmp0, $4  }
0x5f: {  	_ =	swait.ge [sflag:s20], $0x400  }
0x60: {  	[sflag:s20] =	ssyncset.done $0x0  }
0x61: {  	s22 =	sadd.s32 $0x400, s22;
	s23 =	sadd.s32 $0x2880, s23;
	[sflag:s20] =	ssyncadd.s32 $0xFFFFFC00  }
0x62: {  	[spmem:s2] =	stream.indirect.scatter.add.f32 [tilespmem:s15], [sflag:$0x2], $0x8, s23, s18, $0xb8;
	[tilespmem:$0x9400] =	vst v63  }
0x63: {  	_ =	swait.ge [sflag:s19], $0x400  }
0x64: {  	s21 =	sadd.s32 $0x1, s21;
	[sflag:s19] =	ssyncset.done $0x0  }
0x65: {  	p0 =	sne.s32 s21, s10;
	[sflag:s19] =	ssyncadd.s32 $0xFFFFFC00  }
.Ltmp1:
0x66: {  	[bflag:$0x0] =	sbarrier.arrive $0xFFFF;
	(pc) =	sbr.rel @p0 .LBB2_1-.Ltmp1, $4  }
0x67: {  	[hbm:s9], [sflag:s16] =	dma.local [spmem:s17], $0x280  }
0x68: {  	_ =	swait.ge [sflag:s11], $0x280  }
0x69: {  	[sflag:s11] =	ssyncset.done $0x0  }
0x6a: {  	[sflag:s11] =	ssyncadd.s32 $0xFFFFFD80  }
0x6b: {  	_ =	sfence.sel $0x180000  }
0x6c: {  	[bflag:$0x0] =	sbarrier.arrive $0xFFFF  }
0x6d: {  	p0 =	sne.s32 s0, $0x0;
	_ =	strace $0x9000004A  }
0x6e: {  	s0 =	sadd.s32 @!p0 $0x100000, s1;
	[bflag:$0x2] =	sbarrier.arrive $0xFFFF  }
0x6f: {  	[sflag:s0] =	ssyncadd.tile.s32 @!p0 $0x1;
	_ =	shalt  }
.Lfunc_end2:
_tile_overlayer_lowered:
.L_overlay_start_2:
0x70: {  	(tag) =	ssettag $0x2  }
0x71: {  	s0 =	rddreg [dreg:$0x0];
	s2 =	stileid.u32  }
0x72: {  	s1 =	rddreg [dreg:$0x1];
	p0 =	sne.s32 s2, $0x0  }
0x73: {  	s3 =	rddreg [dreg:$0x2];
	[bflag:$0x3] =	sbarrier.arrive $0xFFFF;
	s2 =	simm.s32 @!p0 $0x1C03  }
0x74: {  	[timem:s3], [sflag:s2] =	dma.local @!p0 [hbm:s0], s1  }
0x75: {  	s0 =	simm.s32 @!p0 $0x3  }
0x76: {  	_ =	swait.ge @!p0 [sflag:s0], s1  }
0x77: {  	s1 =	ssub.s32 @!p0 $0x0, s1;
	[sflag:s0] =	ssyncset.done @!p0 $0x0  }
0x78: {  	[sflag:s0] =	ssyncadd.s32 @!p0 s1  }
0x79: {  	[bflag:$0x3] =	sbarrier.arrive $0xFFFF  }
0x7a: {  	_ =	shalt  }

</sc_bundles>
